<compile_context>
chip_gen: v7x
topology: tpu7x:2x2x1
jax: 0.10.2.dev20260603
libtpu: 0.0.44.dev20260713+nightly
codegen_flags: <defaults>
</compile_context>

<pallas_src>
import functools

import jax
import jax.numpy as jnp
from jax import lax
from jax.experimental import pallas as pl
from jax.experimental.pallas import tpu as pltpu
from jax.experimental.pallas import tpu_sc as plsc

S = 16
C = 768
HW = 576
QR = 144
R = 8
NSTEP = QR // R
L = 16
NCB = C // L


def _sc_body(x_hbm, w_hbm, thr_hbm, o_hbm, ibuf, obuf, wbuf, thrbuf, rsem, wsem):
    cid = lax.axis_index("c")
    sid = lax.axis_index("s")
    wid = sid * 2 + cid
    s = wid >> 2
    q = wid & 3
    row0 = q * QR

    pltpu.sync_copy(w_hbm, wbuf)
    pltpu.sync_copy(thr_hbm, thrbuf)
    thrv = thrbuf[...]

    def rd(t, b):
        ro = row0 + t * R
        return (
            pltpu.make_async_copy(x_hbm.at[s, pl.ds(ro, R)], ibuf.at[b, 0], rsem.at[b, 0]),
            pltpu.make_async_copy(x_hbm.at[s + 8, pl.ds(ro, R)], ibuf.at[b, 1], rsem.at[b, 1]),
        )

    def wr(t, b):
        ro = row0 + t * R
        return (
            pltpu.make_async_copy(obuf.at[b, 0], o_hbm.at[0, s, pl.ds(ro, R)], wsem.at[b, 0]),
            pltpu.make_async_copy(obuf.at[b, 1], o_hbm.at[1, s, pl.ds(ro, R)], wsem.at[b, 1]),
        )

    def compute(b):
        off = 0
        m0 = jnp.abs(wbuf[0, pl.ds(off, L)]) < thrv
        m1 = jnp.abs(wbuf[1, pl.ds(off, L)]) < thrv
        xs = ibuf[b, 0, 0, pl.ds(off, L)]
        xo = ibuf[b, 1, 0, pl.ds(off, L)]
        obuf[b, 0, 0, pl.ds(off, L)] = jnp.where(m0, xo, xs)
        obuf[b, 1, 0, pl.ds(off, L)] = jnp.where(m1, xs, xo)

    def step(t, b):
        @pl.when(t + 1 < NSTEP)
        def _():
            for c in rd(t + 1, 1 - b):
                c.start()

        for c in rd(t, b):
            c.wait()

        @pl.when(t >= 2)
        def _():
            for c in wr(t, b):
                c.wait()

        compute(b)
        for c in wr(t, b):
            c.start()

    for c in rd(0, 0):
        c.start()

    def pair(tt, _):
        step(tt * 2, 0)
        step(tt * 2 + 1, 1)
        return 0

    lax.fori_loop(0, NSTEP // 2, pair, 0)
    for c in wr(NSTEP - 2, 0):
        c.wait()
    for c in wr(NSTEP - 1, 1):
        c.wait()


@jax.jit
def _exchange(xt, w, thr16):
    mesh = plsc.VectorSubcoreMesh(
        core_axis_name="c", subcore_axis_name="s", num_cores=2, num_subcores=16
    )
    return pl.kernel(
        _sc_body,
        out_type=jax.ShapeDtypeStruct((2, 8, HW, C), jnp.float32),
        mesh=mesh,
        scratch_types=[
            pltpu.VMEM((2, 2, R, C), jnp.float32),
            pltpu.VMEM((2, 2, R, C), jnp.float32),
            pltpu.VMEM((2, C), jnp.float32),
            pltpu.VMEM((L,), jnp.float32),
            pltpu.SemaphoreType.DMA((2, 2)),
            pltpu.SemaphoreType.DMA((2, 2)),
        ],
    )(xt, w, thr16)


def kernel(x, bn_weight, bn_threshold):
    xt = x.transpose(0, 2, 3, 1).reshape(S, HW, C)
    thr16 = jnp.full((L,), bn_threshold, dtype=jnp.float32)
    out = _exchange(xt, bn_weight, thr16)
    return out.reshape(S, 24, 24, C).transpose(0, 3, 1, 2)

# --- scband reference (transcript-rebuilt; emitter-appended) ---
"""Pipeline reference for scband-exchange-34574486732918 (READ-ONLY COPY).

The authoritative reference and input builder live on the scoring server;
editing this copy changes nothing except your own understanding.
"""

import jax, jax.numpy as jnp
import numpy as np


def setup_inputs(seed: int = 0) -> dict:
    key = jax.random.key(seed)
    k1, k2 = jax.random.split(key)
    x = jax.random.normal(k1, (16, 768, 24, 24), dtype=jnp.float32)
    # bn_weight[p] plays the role of bn[p].weight (BatchNorm2d gamma), one row per parallel branch
    bn_weight = jax.random.normal(k2, (2, 768), dtype=jnp.float32)
    return {"x": x, "bn_weight": bn_weight, "bn_threshold": 0.5}


def reference(x, bn_weight, bn_threshold):
    P, C = bn_weight.shape
    B = x.shape[0] // P
    xr = x.reshape((P, B) + x.shape[1:])  # [P, B, C, H, W]
    outs = []
    for pl in range(P):
        mask = jnp.abs(bn_weight[pl]) < bn_threshold  # [C]
        # all other branches, same within-branch sample index bs (matches x[ids][bs::B])
        others = jnp.concatenate([xr[:pl], xr[pl + 1:]], axis=0)  # [P-1, B, C, H, W]
        mx = jnp.max(others, axis=0)  # [B, C, H, W]
        out_pl = jnp.where(mask[None, :, None, None], mx, xr[pl])
        outs.append(out_pl)
    return jnp.concatenate(outs, axis=0)

if __name__ == "__main__":
    import jax
    _d = setup_inputs()
    print(jax.jit(kernel)(*tuple(_d.values())))

</pallas_src>

<mosaic_0001>
#map = affine_map<(d0, d1) -> (0, 0, 0)>
#map1 = affine_map<(d0, d1) -> (0, 0)>
#map2 = affine_map<(d0, d1) -> (0)>
#map3 = affine_map<(d0, d1) -> (0, 0, 0, 0)>
module attributes {stable_mosaic.version = 14 : i64} {
  func.func @_sc_body(%arg0: i32, %arg1: i32, %arg2: memref<16x576x768xf32, #tpu.memory_space<hbm>>, %arg3: memref<2x768xf32, #tpu.memory_space<hbm>>, %arg4: memref<16xf32, #tpu.memory_space<hbm>>, %arg5: memref<2x8x576x768xf32, #tpu.memory_space<hbm>>, %arg6: memref<2x2x8x768xf32, #tpu.memory_space<vmem>>, %arg7: memref<2x2x8x768xf32, #tpu.memory_space<vmem>>, %arg8: memref<2x768xf32, #tpu.memory_space<vmem>>, %arg9: memref<16xf32, #tpu.memory_space<vmem>>, %arg10: memref<2x2x!tpu.dma_semaphore, #tpu.memory_space<semaphore_mem>>, %arg11: memref<2x2x!tpu.dma_semaphore, #tpu.memory_space<semaphore_mem>>) attributes {dimension_semantics = [#tpu.dimension_semantics<core_parallel>, #tpu.dimension_semantics<subcore_parallel>], iteration_bounds = array<i64: 2, 16>, scalar_prefetch = 0 : i64, scratch_operands = 6 : i64, tpu.core_type = #tpu.core_type<sc_vector_subcore>, window_params = [{transform_indices = #map}, {transform_indices = #map1}, {transform_indices = #map2}, {transform_indices = #map3}]} {
    %mul3A = arith.constant 2 : i32
    %mul3A_0 = arith.muli %arg1, %mul3A : i32
    %add3A = arith.addi %mul3A_0, %arg0 : i32
    %shift_right_arithmetic3A = arith.constant 2 : i32
    %shift_right_arithmetic3A_1 = arith.shrsi %add3A, %shift_right_arithmetic3A : i32
    %and3A = arith.constant 3 : i32
    %and3A_2 = arith.andi %add3A, %and3A : i32
    %mul3A_3 = arith.constant 144 : i32
    %mul3A_4 = arith.muli %and3A_2, %mul3A_3 : i32
    "tpu.region"() ({
      %run_scoped3A = tpu.sem_alloc : memref<!tpu.dma_semaphore, #tpu.memory_space<semaphore_mem>>
      tpu.enqueue_dma source(%arg3 : memref<2x768xf32, #tpu.memory_space<hbm>>) target(%arg8 : memref<2x768xf32, #tpu.memory_space<vmem>>) target_semaphore(%run_scoped3A : memref<!tpu.dma_semaphore, #tpu.memory_space<semaphore_mem>>)
      tpu.wait_dma2 semaphore(%run_scoped3A : memref<!tpu.dma_semaphore, #tpu.memory_space<semaphore_mem>>) src(%arg3 : memref<2x768xf32, #tpu.memory_space<hbm>>) dst(%arg8 : memref<2x768xf32, #tpu.memory_space<vmem>>)
      tpu.yield
    }) : () -> ()
    "tpu.region"() ({
      %run_scoped3A = tpu.sem_alloc : memref<!tpu.dma_semaphore, #tpu.memory_space<semaphore_mem>>
      tpu.enqueue_dma source(%arg4 : memref<16xf32, #tpu.memory_space<hbm>>) target(%arg9 : memref<16xf32, #tpu.memory_space<vmem>>) target_semaphore(%run_scoped3A : memref<!tpu.dma_semaphore, #tpu.memory_space<semaphore_mem>>)
      tpu.wait_dma2 semaphore(%run_scoped3A : memref<!tpu.dma_semaphore, #tpu.memory_space<semaphore_mem>>) src(%arg4 : memref<16xf32, #tpu.memory_space<hbm>>) dst(%arg9 : memref<16xf32, #tpu.memory_space<vmem>>)
      tpu.yield
    }) : () -> ()
    %get3A = arith.constant 0 : index
    %get3A_5 = tpu.vector_load %arg9[%get3A] {strides = array<i32>} : memref<16xf32, #tpu.memory_space<vmem>>, vector<16xf32>,
    %get3A_6 = vector.shape_cast %get3A_5 : vector<16xf32> to vector<16xf32>
    %add3A_7 = arith.constant 0 : i32
    %add3A_8 = arith.addi %mul3A_4, %add3A_7 : i32
    %add3A_9 = arith.constant 8 : i32
    %add3A_10 = arith.addi %shift_right_arithmetic3A_1, %add3A_9 : i32
    %dma_start3A = arith.constant 0 : i32
    %dma_start3A_11 = arith.constant 0 : i32
    %dma_start3A_12 = arith.constant 0 : i32
    %dma_start3A_13 = arith.constant 0 : i32
    %dma_start3A_14 = arith.constant 0 : i32
    %dma_start3A_15 = arith.constant 0 : i32
    %dma_start3A_16 = tpu.memref_slice %arg6[%dma_start3A, %dma_start3A_11, %dma_start3A_14, %dma_start3A_15] : memref<2x2x8x768xf32, #tpu.memory_space<vmem>> -> memref<1x1x8x768xf32, #tpu.memory_space<vmem>>
    %dma_start3A_17 = tpu.memref_squeeze %dma_start3A_16 : memref<1x1x8x768xf32, #tpu.memory_space<vmem>> -> memref<8x768xf32, #tpu.memory_space<vmem>>
    %dma_start3A_18 = arith.constant 0 : i32
    %dma_start3A_19 = tpu.memref_slice %arg2[%shift_right_arithmetic3A_1, %add3A_8, %dma_start3A_18] : memref<16x576x768xf32, #tpu.memory_space<hbm>> -> memref<1x8x768xf32, #tpu.memory_space<hbm>>
    %dma_start3A_20 = tpu.memref_squeeze %dma_start3A_19 : memref<1x8x768xf32, #tpu.memory_space<hbm>> -> memref<8x768xf32, #tpu.memory_space<hbm>>
    %dma_start3A_21 = tpu.memref_slice %arg10[%dma_start3A_12, %dma_start3A_13] : memref<2x2x!tpu.dma_semaphore, #tpu.memory_space<semaphore_mem>> -> memref<1x1x!tpu.dma_semaphore, #tpu.memory_space<semaphore_mem>>
    %dma_start3A_22 = tpu.memref_squeeze %dma_start3A_21 : memref<1x1x!tpu.dma_semaphore, #tpu.memory_space<semaphore_mem>> -> memref<!tpu.dma_semaphore, #tpu.memory_space<semaphore_mem>>
    %dma_start3A_23 = arith.constant 0 : i32
    %dma_start3A_24 = arith.constant 0 : i32
    %dma_start3A_25 = tpu.memref_slice %arg6[%dma_start3A, %dma_start3A_11, %dma_start3A_23, %dma_start3A_24] : memref<2x2x8x768xf32, #tpu.memory_space<vmem>> -> memref<1x1x8x768xf32, #tpu.memory_space<vmem>>
    %dma_start3A_26 = tpu.memref_squeeze %dma_start3A_25 : memref<1x1x8x768xf32, #tpu.memory_space<vmem>> -> memref<8x768xf32, #tpu.memory_space<vmem>>
    %dma_start3A_27 = arith.constant 0 : i32
    %dma_start3A_28 = tpu.memref_slice %arg2[%shift_right_arithmetic3A_1, %add3A_8, %dma_start3A_27] : memref<16x576x768xf32, #tpu.memory_space<hbm>> -> memref<1x8x768xf32, #tpu.memory_space<hbm>>
    %dma_start3A_29 = tpu.memref_squeeze %dma_start3A_28 : memref<1x8x768xf32, #tpu.memory_space<hbm>> -> memref<8x768xf32, #tpu.memory_space<hbm>>
    tpu.enqueue_dma source(%dma_start3A_29 : memref<8x768xf32, #tpu.memory_space<hbm>>) target(%dma_start3A_26 : memref<8x768xf32, #tpu.memory_space<vmem>>) target_semaphore(%dma_start3A_22 : memref<!tpu.dma_semaphore, #tpu.memory_space<semaphore_mem>>)
    %dma_start3A_30 = arith.constant 0 : i32
    %dma_start3A_31 = arith.constant 1 : i32
    %dma_start3A_32 = arith.constant 0 : i32
    %dma_start3A_33 = arith.constant 1 : i32
    %dma_start3A_34 = arith.constant 0 : i32
    %dma_start3A_35 = arith.constant 0 : i32
    %dma_start3A_36 = tpu.memref_slice %arg6[%dma_start3A_30, %dma_start3A_31, %dma_start3A_34, %dma_start3A_35] : memref<2x2x8x768xf32, #tpu.memory_space<vmem>> -> memref<1x1x8x768xf32, #tpu.memory_space<vmem>>
    %dma_start3A_37 = tpu.memref_squeeze %dma_start3A_36 : memref<1x1x8x768xf32, #tpu.memory_space<vmem>> -> memref<8x768xf32, #tpu.memory_space<vmem>>
    %dma_start3A_38 = arith.constant 0 : i32
    %dma_start3A_39 = tpu.memref_slice %arg2[%add3A_10, %add3A_8, %dma_start3A_38] : memref<16x576x768xf32, #tpu.memory_space<hbm>> -> memref<1x8x768xf32, #tpu.memory_space<hbm>>
    %dma_start3A_40 = tpu.memref_squeeze %dma_start3A_39 : memref<1x8x768xf32, #tpu.memory_space<hbm>> -> memref<8x768xf32, #tpu.memory_space<hbm>>
    %dma_start3A_41 = tpu.memref_slice %arg10[%dma_start3A_32, %dma_start3A_33] : memref<2x2x!tpu.dma_semaphore, #tpu.memory_space<semaphore_mem>> -> memref<1x1x!tpu.dma_semaphore, #tpu.memory_space<semaphore_mem>>
    %dma_start3A_42 = tpu.memref_squeeze %dma_start3A_41 : memref<1x1x!tpu.dma_semaphore, #tpu.memory_space<semaphore_mem>> -> memref<!tpu.dma_semaphore, #tpu.memory_space<semaphore_mem>>
    %dma_start3A_43 = arith.constant 0 : i32
    %dma_start3A_44 = arith.constant 0 : i32
    %dma_start3A_45 = tpu.memref_slice %arg6[%dma_start3A_30, %dma_start3A_31, %dma_start3A_43, %dma_start3A_44] : memref<2x2x8x768xf32, #tpu.memory_space<vmem>> -> memref<1x1x8x768xf32, #tpu.memory_space<vmem>>
    %dma_start3A_46 = tpu.memref_squeeze %dma_start3A_45 : memref<1x1x8x768xf32, #tpu.memory_space<vmem>> -> memref<8x768xf32, #tpu.memory_space<vmem>>
    %dma_start3A_47 = arith.constant 0 : i32
    %dma_start3A_48 = tpu.memref_slice %arg2[%add3A_10, %add3A_8, %dma_start3A_47] : memref<16x576x768xf32, #tpu.memory_space<hbm>> -> memref<1x8x768xf32, #tpu.memory_space<hbm>>
    %dma_start3A_49 = tpu.memref_squeeze %dma_start3A_48 : memref<1x8x768xf32, #tpu.memory_space<hbm>> -> memref<8x768xf32, #tpu.memory_space<hbm>>
    tpu.enqueue_dma source(%dma_start3A_49 : memref<8x768xf32, #tpu.memory_space<hbm>>) target(%dma_start3A_46 : memref<8x768xf32, #tpu.memory_space<vmem>>) target_semaphore(%dma_start3A_42 : memref<!tpu.dma_semaphore, #tpu.memory_space<semaphore_mem>>)
    %scan3A = arith.constant 0 : i32
    %scan3A_50 = arith.constant 0 : i32
    %scan3A_51 = arith.constant 9 : i32
    %scan3A_52 = arith.addi %scan3A_50, %scan3A_51 : i32
    %scan3A_53 = arith.constant 1 : i32
    %scan3A_54 = scf.for %scan3A_143 = %scan3A_50 to %scan3A_52 step %scan3A_53 iter_args(%scan3A_144 = %scan3A) -> (i32)  : i32 {
      %mul3A_145 = arith.constant 2 : i32
      %mul3A_146 = arith.muli %scan3A_143, %mul3A_145 : i32
      %add3A_147 = arith.constant 1 : i32
      %add3A_148 = arith.addi %mul3A_146, %add3A_147 : i32
      %lt3A = arith.constant 18 : i32
      %lt3A_149 = arith.cmpi slt, %add3A_148, %lt3A : i32
      %convert_element_type3A = arith.extui %lt3A_149 : i1 to i32
      %cond3A = arith.constant 0 : i32
      %cond3A_150 = arith.cmpi ne, %convert_element_type3A, %cond3A : i32
      scf.if %cond3A_150 {
        %add3A_457 = arith.constant 1 : i32
        %add3A_458 = arith.addi %mul3A_146, %add3A_457 : i32
        %mul3A_459 = arith.constant 8 : i32
        %mul3A_460 = arith.muli %add3A_458, %mul3A_459 : i32
        %add3A_461 = arith.addi %mul3A_4, %mul3A_460 : i32
        %add3A_462 = arith.constant 8 : i32
        %add3A_463 = arith.addi %shift_right_arithmetic3A_1, %add3A_462 : i32
        %dma_start3A_464 = arith.constant 1 : i32
        %dma_start3A_465 = arith.constant 0 : i32
        %dma_start3A_466 = arith.constant 1 : i32
        %dma_start3A_467 = arith.constant 0 : i32
        %dma_start3A_468 = arith.constant 0 : i32
        %dma_start3A_469 = arith.constant 0 : i32
        %dma_start3A_470 = tpu.memref_slice %arg6[%dma_start3A_464, %dma_start3A_465, %dma_start3A_468, %dma_start3A_469] : memref<2x2x8x768xf32, #tpu.memory_space<vmem>> -> memref<1x1x8x768xf32, #tpu.memory_space<vmem>>
        %dma_start3A_471 = tpu.memref_squeeze %dma_start3A_470 : memref<1x1x8x768xf32, #tpu.memory_space<vmem>> -> memref<8x768xf32, #tpu.memory_space<vmem>>
        %dma_start3A_472 = arith.constant 0 : i32
        %dma_start3A_473 = tpu.memref_slice %arg2[%shift_right_arithmetic3A_1, %add3A_461, %dma_start3A_472] : memref<16x576x768xf32, #tpu.memory_space<hbm>> -> memref<1x8x768xf32, #tpu.memory_space<hbm>>
        %dma_start3A_474 = tpu.memref_squeeze %dma_start3A_473 : memref<1x8x768xf32, #tpu.memory_space<hbm>> -> memref<8x768xf32, #tpu.memory_space<hbm>>
        %dma_start3A_475 = tpu.memref_slice %arg10[%dma_start3A_466, %dma_start3A_467] : memref<2x2x!tpu.dma_semaphore, #tpu.memory_space<semaphore_mem>> -> memref<1x1x!tpu.dma_semaphore, #tpu.memory_space<semaphore_mem>>
        %dma_start3A_476 = tpu.memref_squeeze %dma_start3A_475 : memref<1x1x!tpu.dma_semaphore, #tpu.memory_space<semaphore_mem>> -> memref<!tpu.dma_semaphore, #tpu.memory_space<semaphore_mem>>
        %dma_start3A_477 = arith.constant 0 : i32
        %dma_start3A_478 = arith.constant 0 : i32
        %dma_start3A_479 = tpu.memref_slice %arg6[%dma_start3A_464, %dma_start3A_465, %dma_start3A_477, %dma_start3A_478] : memref<2x2x8x768xf32, #tpu.memory_space<vmem>> -> memref<1x1x8x768xf32, #tpu.memory_space<vmem>>
        %dma_start3A_480 = tpu.memref_squeeze %dma_start3A_479 : memref<1x1x8x768xf32, #tpu.memory_space<vmem>> -> memref<8x768xf32, #tpu.memory_space<vmem>>
        %dma_start3A_481 = arith.constant 0 : i32
        %dma_start3A_482 = tpu.memref_slice %arg2[%shift_right_arithmetic3A_1, %add3A_461, %dma_start3A_481] : memref<16x576x768xf32, #tpu.memory_space<hbm>> -> memref<1x8x768xf32, #tpu.memory_space<hbm>>
        %dma_start3A_483 = tpu.memref_squeeze %dma_start3A_482 : memref<1x8x768xf32, #tpu.memory_space<hbm>> -> memref<8x768xf32, #tpu.memory_space<hbm>>
        tpu.enqueue_dma source(%dma_start3A_483 : memref<8x768xf32, #tpu.memory_space<hbm>>) target(%dma_start3A_480 : memref<8x768xf32, #tpu.memory_space<vmem>>) target_semaphore(%dma_start3A_476 : memref<!tpu.dma_semaphore, #tpu.memory_space<semaphore_mem>>)
        %dma_start3A_484 = arith.constant 1 : i32
        %dma_start3A_485 = arith.constant 1 : i32
        %dma_start3A_486 = arith.constant 1 : i32
        %dma_start3A_487 = arith.constant 1 : i32
        %dma_start3A_488 = arith.constant 0 : i32
        %dma_start3A_489 = arith.constant 0 : i32
        %dma_start3A_490 = tpu.memref_slice %arg6[%dma_start3A_484, %dma_start3A_485, %dma_start3A_488, %dma_start3A_489] : memref<2x2x8x768xf32, #tpu.memory_space<vmem>> -> memref<1x1x8x768xf32, #tpu.memory_space<vmem>>
        %dma_start3A_491 = tpu.memref_squeeze %dma_start3A_490 : memref<1x1x8x768xf32, #tpu.memory_space<vmem>> -> memref<8x768xf32, #tpu.memory_space<vmem>>
        %dma_start3A_492 = arith.constant 0 : i32
        %dma_start3A_493 = tpu.memref_slice %arg2[%add3A_463, %add3A_461, %dma_start3A_492] : memref<16x576x768xf32, #tpu.memory_space<hbm>> -> memref<1x8x768xf32, #tpu.memory_space<hbm>>
        %dma_start3A_494 = tpu.memref_squeeze %dma_start3A_493 : memref<1x8x768xf32, #tpu.memory_space<hbm>> -> memref<8x768xf32, #tpu.memory_space<hbm>>
        %dma_start3A_495 = tpu.memref_slice %arg10[%dma_start3A_486, %dma_start3A_487] : memref<2x2x!tpu.dma_semaphore, #tpu.memory_space<semaphore_mem>> -> memref<1x1x!tpu.dma_semaphore, #tpu.memory_space<semaphore_mem>>
        %dma_start3A_496 = tpu.memref_squeeze %dma_start3A_495 : memref<1x1x!tpu.dma_semaphore, #tpu.memory_space<semaphore_mem>> -> memref<!tpu.dma_semaphore, #tpu.memory_space<semaphore_mem>>
        %dma_start3A_497 = arith.constant 0 : i32
        %dma_start3A_498 = arith.constant 0 : i32
        %dma_start3A_499 = tpu.memref_slice %arg6[%dma_start3A_484, %dma_start3A_485, %dma_start3A_497, %dma_start3A_498] : memref<2x2x8x768xf32, #tpu.memory_space<vmem>> -> memref<1x1x8x768xf32, #tpu.memory_space<vmem>>
        %dma_start3A_500 = tpu.memref_squeeze %dma_start3A_499 : memref<1x1x8x768xf32, #tpu.memory_space<vmem>> -> memref<8x768xf32, #tpu.memory_space<vmem>>
        %dma_start3A_501 = arith.constant 0 : i32
        %dma_start3A_502 = tpu.memref_slice %arg2[%add3A_463, %add3A_461, %dma_start3A_501] : memref<16x576x768xf32, #tpu.memory_space<hbm>> -> memref<1x8x768xf32, #tpu.memory_space<hbm>>
        %dma_start3A_503 = tpu.memref_squeeze %dma_start3A_502 : memref<1x8x768xf32, #tpu.memory_space<hbm>> -> memref<8x768xf32, #tpu.memory_space<hbm>>
        tpu.enqueue_dma source(%dma_start3A_503 : memref<8x768xf32, #tpu.memory_space<hbm>>) target(%dma_start3A_500 : memref<8x768xf32, #tpu.memory_space<vmem>>) target_semaphore(%dma_start3A_496 : memref<!tpu.dma_semaphore, #tpu.memory_space<semaphore_mem>>)
      } else {
      }
      %mul3A_151 = arith.constant 8 : i32
      %mul3A_152 = arith.muli %mul3A_146, %mul3A_151 : i32
      %add3A_153 = arith.addi %mul3A_4, %mul3A_152 : i32
      %add3A_154 = arith.constant 8 : i32
      %add3A_155 = arith.addi %shift_right_arithmetic3A_1, %add3A_154 : i32
      %dma_wait3A_156 = arith.constant 0 : i32
      %dma_wait3A_157 = arith.constant 0 : i32
      %dma_wait3A_158 = arith.constant 0 : i32
      %dma_wait3A_159 = arith.constant 0 : i32
      %dma_wait3A_160 = arith.constant 0 : i32
      %dma_wait3A_161 = arith.constant 0 : i32
      %dma_wait3A_162 = tpu.memref_slice %arg6[%dma_wait3A_156, %dma_wait3A_157, %dma_wait3A_160, %dma_wait3A_161] : memref<2x2x8x768xf32, #tpu.memory_space<vmem>> -> memref<1x1x8x768xf32, #tpu.memory_space<vmem>>
      %dma_wait3A_163 = tpu.memref_squeeze %dma_wait3A_162 : memref<1x1x8x768xf32, #tpu.memory_space<vmem>> -> memref<8x768xf32, #tpu.memory_space<vmem>>
      %dma_wait3A_164 = arith.constant 0 : i32
      %dma_wait3A_165 = tpu.memref_slice %arg2[%shift_right_arithmetic3A_1, %add3A_153, %dma_wait3A_164] : memref<16x576x768xf32, #tpu.memory_space<hbm>> -> memref<1x8x768xf32, #tpu.memory_space<hbm>>
      %dma_wait3A_166 = tpu.memref_squeeze %dma_wait3A_165 : memref<1x8x768xf32, #tpu.memory_space<hbm>> -> memref<8x768xf32, #tpu.memory_space<hbm>>
      %dma_wait3A_167 = tpu.memref_slice %arg10[%dma_wait3A_158, %dma_wait3A_159] : memref<2x2x!tpu.dma_semaphore, #tpu.memory_space<semaphore_mem>> -> memref<1x1x!tpu.dma_semaphore, #tpu.memory_space<semaphore_mem>>
      %dma_wait3A_168 = tpu.memref_squeeze %dma_wait3A_167 : memref<1x1x!tpu.dma_semaphore, #tpu.memory_space<semaphore_mem>> -> memref<!tpu.dma_semaphore, #tpu.memory_space<semaphore_mem>>
      %dma_wait3A_169 = arith.constant 0 : i32
      %dma_wait3A_170 = arith.constant 0 : i32
      %dma_wait3A_171 = tpu.memref_slice %arg6[%dma_wait3A_156, %dma_wait3A_157, %dma_wait3A_169, %dma_wait3A_170] : memref<2x2x8x768xf32, #tpu.memory_space<vmem>> -> memref<1x1x8x768xf32, #tpu.memory_space<vmem>>
      %dma_wait3A_172 = tpu.memref_squeeze %dma_wait3A_171 : memref<1x1x8x768xf32, #tpu.memory_space<vmem>> -> memref<8x768xf32, #tpu.memory_space<vmem>>
      %dma_wait3A_173 = arith.constant 0 : i32
      %dma_wait3A_174 = tpu.memref_slice %arg2[%shift_right_arithmetic3A_1, %add3A_153, %dma_wait3A_173] : memref<16x576x768xf32, #tpu.memory_space<hbm>> -> memref<1x8x768xf32, #tpu.memory_space<hbm>>
      %dma_wait3A_175 = tpu.memref_squeeze %dma_wait3A_174 : memref<1x8x768xf32, #tpu.memory_space<hbm>> -> memref<8x768xf32, #tpu.memory_space<hbm>>
      tpu.wait_dma2 semaphore(%dma_wait3A_168 : memref<!tpu.dma_semaphore, #tpu.memory_space<semaphore_mem>>) src(%dma_wait3A_175 : memref<8x768xf32, #tpu.memory_space<hbm>>) dst(%dma_wait3A_172 : memref<8x768xf32, #tpu.memory_space<vmem>>)
      %dma_wait3A_176 = arith.constant 0 : i32
      %dma_wait3A_177 = arith.constant 1 : i32
      %dma_wait3A_178 = arith.constant 0 : i32
      %dma_wait3A_179 = arith.constant 1 : i32
      %dma_wait3A_180 = arith.constant 0 : i32
      %dma_wait3A_181 = arith.constant 0 : i32
      %dma_wait3A_182 = tpu.memref_slice %arg6[%dma_wait3A_176, %dma_wait3A_177, %dma_wait3A_180, %dma_wait3A_181] : memref<2x2x8x768xf32, #tpu.memory_space<vmem>> -> memref<1x1x8x768xf32, #tpu.memory_space<vmem>>
      %dma_wait3A_183 = tpu.memref_squeeze %dma_wait3A_182 : memref<1x1x8x768xf32, #tpu.memory_space<vmem>> -> memref<8x768xf32, #tpu.memory_space<vmem>>
      %dma_wait3A_184 = arith.constant 0 : i32
      %dma_wait3A_185 = tpu.memref_slice %arg2[%add3A_155, %add3A_153, %dma_wait3A_184] : memref<16x576x768xf32, #tpu.memory_space<hbm>> -> memref<1x8x768xf32, #tpu.memory_space<hbm>>
      %dma_wait3A_186 = tpu.memref_squeeze %dma_wait3A_185 : memref<1x8x768xf32, #tpu.memory_space<hbm>> -> memref<8x768xf32, #tpu.memory_space<hbm>>
      %dma_wait3A_187 = tpu.memref_slice %arg10[%dma_wait3A_178, %dma_wait3A_179] : memref<2x2x!tpu.dma_semaphore, #tpu.memory_space<semaphore_mem>> -> memref<1x1x!tpu.dma_semaphore, #tpu.memory_space<semaphore_mem>>
      %dma_wait3A_188 = tpu.memref_squeeze %dma_wait3A_187 : memref<1x1x!tpu.dma_semaphore, #tpu.memory_space<semaphore_mem>> -> memref<!tpu.dma_semaphore, #tpu.memory_space<semaphore_mem>>
      %dma_wait3A_189 = arith.constant 0 : i32
      %dma_wait3A_190 = arith.constant 0 : i32
      %dma_wait3A_191 = tpu.memref_slice %arg6[%dma_wait3A_176, %dma_wait3A_177, %dma_wait3A_189, %dma_wait3A_190] : memref<2x2x8x768xf32, #tpu.memory_space<vmem>> -> memref<1x1x8x768xf32, #tpu.memory_space<vmem>>
      %dma_wait3A_192 = tpu.memref_squeeze %dma_wait3A_191 : memref<1x1x8x768xf32, #tpu.memory_space<vmem>> -> memref<8x768xf32, #tpu.memory_space<vmem>>
      %dma_wait3A_193 = arith.constant 0 : i32
      %dma_wait3A_194 = tpu.memref_slice %arg2[%add3A_155, %add3A_153, %dma_wait3A_193] : memref<16x576x768xf32, #tpu.memory_space<hbm>> -> memref<1x8x768xf32, #tpu.memory_space<hbm>>
      %dma_wait3A_195 = tpu.memref_squeeze %dma_wait3A_194 : memref<1x8x768xf32, #tpu.memory_space<hbm>> -> memref<8x768xf32, #tpu.memory_space<hbm>>
      tpu.wait_dma2 semaphore(%dma_wait3A_188 : memref<!tpu.dma_semaphore, #tpu.memory_space<semaphore_mem>>) src(%dma_wait3A_195 : memref<8x768xf32, #tpu.memory_space<hbm>>) dst(%dma_wait3A_192 : memref<8x768xf32, #tpu.memory_space<vmem>>)
      %ge3A = arith.constant 2 : i32
      %ge3A_196 = arith.cmpi sge, %mul3A_146, %ge3A : i32
      %convert_element_type3A_197 = arith.extui %ge3A_196 : i1 to i32
      %cond3A_198 = arith.constant 0 : i32
      %cond3A_199 = arith.cmpi ne, %convert_element_type3A_197, %cond3A_198 : i32
      scf.if %cond3A_199 {
        %mul3A_457 = arith.constant 8 : i32
        %mul3A_458 = arith.muli %mul3A_146, %mul3A_457 : i32
        %add3A_459 = arith.addi %mul3A_4, %mul3A_458 : i32
        %dma_wait3A_460 = arith.constant 0 : i32
        %dma_wait3A_461 = arith.constant 0 : i32
        %dma_wait3A_462 = arith.constant 0 : i32
        %dma_wait3A_463 = arith.constant 0 : i32
        %dma_wait3A_464 = arith.constant 0 : i32
        %dma_wait3A_465 = arith.constant 0 : i32
        %dma_wait3A_466 = arith.constant 0 : i32
        %dma_wait3A_467 = tpu.memref_slice %arg7[%dma_wait3A_460, %dma_wait3A_461, %dma_wait3A_465, %dma_wait3A_466] : memref<2x2x8x768xf32, #tpu.memory_space<vmem>> -> memref<1x1x8x768xf32, #tpu.memory_space<vmem>>
        %dma_wait3A_468 = tpu.memref_squeeze %dma_wait3A_467 : memref<1x1x8x768xf32, #tpu.memory_space<vmem>> -> memref<8x768xf32, #tpu.memory_space<vmem>>
        %dma_wait3A_469 = arith.constant 0 : i32
        %dma_wait3A_470 = tpu.memref_slice %arg5[%dma_wait3A_462, %shift_right_arithmetic3A_1, %add3A_459, %dma_wait3A_469] : memref<2x8x576x768xf32, #tpu.memory_space<hbm>> -> memref<1x1x8x768xf32, #tpu.memory_space<hbm>>
        %dma_wait3A_471 = tpu.memref_squeeze %dma_wait3A_470 : memref<1x1x8x768xf32, #tpu.memory_space<hbm>> -> memref<8x768xf32, #tpu.memory_space<hbm>>
        %dma_wait3A_472 = tpu.memref_slice %arg11[%dma_wait3A_463, %dma_wait3A_464] : memref<2x2x!tpu.dma_semaphore, #tpu.memory_space<semaphore_mem>> -> memref<1x1x!tpu.dma_semaphore, #tpu.memory_space<semaphore_mem>>
        %dma_wait3A_473 = tpu.memref_squeeze %dma_wait3A_472 : memref<1x1x!tpu.dma_semaphore, #tpu.memory_space<semaphore_mem>> -> memref<!tpu.dma_semaphore, #tpu.memory_space<semaphore_mem>>
        %dma_wait3A_474 = arith.constant 0 : i32
        %dma_wait3A_475 = tpu.memref_slice %arg5[%dma_wait3A_462, %shift_right_arithmetic3A_1, %add3A_459, %dma_wait3A_474] : memref<2x8x576x768xf32, #tpu.memory_space<hbm>> -> memref<1x1x8x768xf32, #tpu.memory_space<hbm>>
        %dma_wait3A_476 = tpu.memref_squeeze %dma_wait3A_475 : memref<1x1x8x768xf32, #tpu.memory_space<hbm>> -> memref<8x768xf32, #tpu.memory_space<hbm>>
        %dma_wait3A_477 = arith.constant 0 : i32
        %dma_wait3A_478 = arith.constant 0 : i32
        %dma_wait3A_479 = tpu.memref_slice %arg7[%dma_wait3A_460, %dma_wait3A_461, %dma_wait3A_477, %dma_wait3A_478] : memref<2x2x8x768xf32, #tpu.memory_space<vmem>> -> memref<1x1x8x768xf32, #tpu.memory_space<vmem>>
        %dma_wait3A_480 = tpu.memref_squeeze %dma_wait3A_479 : memref<1x1x8x768xf32, #tpu.memory_space<vmem>> -> memref<8x768xf32, #tpu.memory_space<vmem>>
        tpu.wait_dma2 semaphore(%dma_wait3A_473 : memref<!tpu.dma_semaphore, #tpu.memory_space<semaphore_mem>>) src(%dma_wait3A_480 : memref<8x768xf32, #tpu.memory_space<vmem>>) dst(%dma_wait3A_476 : memref<8x768xf32, #tpu.memory_space<hbm>>)
        %dma_wait3A_481 = arith.constant 0 : i32
        %dma_wait3A_482 = arith.constant 1 : i32
        %dma_wait3A_483 = arith.constant 1 : i32
        %dma_wait3A_484 = arith.constant 0 : i32
        %dma_wait3A_485 = arith.constant 1 : i32
        %dma_wait3A_486 = arith.constant 0 : i32
        %dma_wait3A_487 = arith.constant 0 : i32
        %dma_wait3A_488 = tpu.memref_slice %arg7[%dma_wait3A_481, %dma_wait3A_482, %dma_wait3A_486, %dma_wait3A_487] : memref<2x2x8x768xf32, #tpu.memory_space<vmem>> -> memref<1x1x8x768xf32, #tpu.memory_space<vmem>>
        %dma_wait3A_489 = tpu.memref_squeeze %dma_wait3A_488 : memref<1x1x8x768xf32, #tpu.memory_space<vmem>> -> memref<8x768xf32, #tpu.memory_space<vmem>>
        %dma_wait3A_490 = arith.constant 0 : i32
        %dma_wait3A_491 = tpu.memref_slice %arg5[%dma_wait3A_483, %shift_right_arithmetic3A_1, %add3A_459, %dma_wait3A_490] : memref<2x8x576x768xf32, #tpu.memory_space<hbm>> -> memref<1x1x8x768xf32, #tpu.memory_space<hbm>>
        %dma_wait3A_492 = tpu.memref_squeeze %dma_wait3A_491 : memref<1x1x8x768xf32, #tpu.memory_space<hbm>> -> memref<8x768xf32, #tpu.memory_space<hbm>>
        %dma_wait3A_493 = tpu.memref_slice %arg11[%dma_wait3A_484, %dma_wait3A_485] : memref<2x2x!tpu.dma_semaphore, #tpu.memory_space<semaphore_mem>> -> memref<1x1x!tpu.dma_semaphore, #tpu.memory_space<semaphore_mem>>
        %dma_wait3A_494 = tpu.memref_squeeze %dma_wait3A_493 : memref<1x1x!tpu.dma_semaphore, #tpu.memory_space<semaphore_mem>> -> memref<!tpu.dma_semaphore, #tpu.memory_space<semaphore_mem>>
        %dma_wait3A_495 = arith.constant 0 : i32
        %dma_wait3A_496 = tpu.memref_slice %arg5[%dma_wait3A_483, %shift_right_arithmetic3A_1, %add3A_459, %dma_wait3A_495] : memref<2x8x576x768xf32, #tpu.memory_space<hbm>> -> memref<1x1x8x768xf32, #tpu.memory_space<hbm>>
        %dma_wait3A_497 = tpu.memref_squeeze %dma_wait3A_496 : memref<1x1x8x768xf32, #tpu.memory_space<hbm>> -> memref<8x768xf32, #tpu.memory_space<hbm>>
        %dma_wait3A_498 = arith.constant 0 : i32
        %dma_wait3A_499 = arith.constant 0 : i32
        %dma_wait3A_500 = tpu.memref_slice %arg7[%dma_wait3A_481, %dma_wait3A_482, %dma_wait3A_498, %dma_wait3A_499] : memref<2x2x8x768xf32, #tpu.memory_space<vmem>> -> memref<1x1x8x768xf32, #tpu.memory_space<vmem>>
        %dma_wait3A_501 = tpu.memref_squeeze %dma_wait3A_500 : memref<1x1x8x768xf32, #tpu.memory_space<vmem>> -> memref<8x768xf32, #tpu.memory_space<vmem>>
        tpu.wait_dma2 semaphore(%dma_wait3A_494 : memref<!tpu.dma_semaphore, #tpu.memory_space<semaphore_mem>>) src(%dma_wait3A_501 : memref<8x768xf32, #tpu.memory_space<vmem>>) dst(%dma_wait3A_497 : memref<8x768xf32, #tpu.memory_space<hbm>>)
      } else {
      }
      %get3A_200 = arith.constant 0 : i32
      %get3A_201 = arith.index_cast %get3A_200 : i32 to index
      %get3A_202 = arith.constant 0 : index
      %get3A_203 = tpu.vector_load %arg8[%get3A_201, %get3A_202] {strides = array<i32>} : memref<2x768xf32, #tpu.memory_space<vmem>>, vector<1x16xf32>,
      %get3A_204 = vector.shape_cast %get3A_203 : vector<1x16xf32> to vector<16xf32>
      %abs3A = math.absf %get3A_204 : vector<16xf32>
      %lt3A_205 = arith.cmpf olt, %abs3A, %get3A_6 : vector<16xf32>
      %get3A_206 = arith.constant 1 : i32
      %get3A_207 = arith.index_cast %get3A_206 : i32 to index
      %get3A_208 = arith.constant 0 : index
      %get3A_209 = tpu.vector_load %arg8[%get3A_207, %get3A_208] {strides = array<i32>} : memref<2x768xf32, #tpu.memory_space<vmem>>, vector<1x16xf32>,
      %get3A_210 = vector.shape_cast %get3A_209 : vector<1x16xf32> to vector<16xf32>
      %abs3A_211 = math.absf %get3A_210 : vector<16xf32>
      %lt3A_212 = arith.cmpf olt, %abs3A_211, %get3A_6 : vector<16xf32>
      %get3A_213 = arith.constant 0 : i32
      %get3A_214 = arith.constant 0 : i32
      %get3A_215 = arith.constant 0 : i32
      %get3A_216 = arith.index_cast %get3A_213 : i32 to index
      %get3A_217 = arith.index_cast %get3A_214 : i32 to index
      %get3A_218 = arith.index_cast %get3A_215 : i32 to index
      %get3A_219 = arith.constant 0 : index
      %get3A_220 = tpu.vector_load %arg6[%get3A_216, %get3A_217, %get3A_218, %get3A_219] {strides = array<i32>} : memref<2x2x8x768xf32, #tpu.memory_space<vmem>>, vector<1x1x1x16xf32>,
      %get3A_221 = vector.shape_cast %get3A_220 : vector<1x1x1x16xf32> to vector<16xf32>
      %get3A_222 = arith.constant 0 : i32
      %get3A_223 = arith.constant 1 : i32
      %get3A_224 = arith.constant 0 : i32
      %get3A_225 = arith.index_cast %get3A_222 : i32 to index
      %get3A_226 = arith.index_cast %get3A_223 : i32 to index
      %get3A_227 = arith.index_cast %get3A_224 : i32 to index
      %get3A_228 = arith.constant 0 : index
      %get3A_229 = tpu.vector_load %arg6[%get3A_225, %get3A_226, %get3A_227, %get3A_228] {strides = array<i32>} : memref<2x2x8x768xf32, #tpu.memory_space<vmem>>, vector<1x1x1x16xf32>,
      %get3A_230 = vector.shape_cast %get3A_229 : vector<1x1x1x16xf32> to vector<16xf32>
      %select_n3A = arith.select %lt3A_205, %get3A_230, %get3A_221 : vector<16xi1>, vector<16xf32>
      %swap3A = arith.constant 0 : i32
      %swap3A_231 = arith.constant 0 : i32
      %swap3A_232 = arith.constant 0 : i32
      %swap3A_233 = arith.index_cast %swap3A : i32 to index
      %swap3A_234 = arith.index_cast %swap3A_231 : i32 to index
      %swap3A_235 = arith.index_cast %swap3A_232 : i32 to index
      %swap3A_236 = arith.constant 0 : index
      %swap3A_237 = tpu.vector_load %arg7[%swap3A_233, %swap3A_234, %swap3A_235, %swap3A_236] {strides = array<i32>} : memref<2x2x8x768xf32, #tpu.memory_space<vmem>>, vector<1x1x1x16xf32>,
      %swap3A_238 = vector.shape_cast %swap3A_237 : vector<1x1x1x16xf32> to vector<16xf32>
      %swap3A_239 = vector.shape_cast %select_n3A : vector<16xf32> to vector<1x1x1x16xf32>
      tpu.vector_store %arg7[%swap3A_233, %swap3A_234, %swap3A_235, %swap3A_236], %swap3A_239 {strides = array<i32>} : memref<2x2x8x768xf32, #tpu.memory_space<vmem>>, vector<1x1x1x16xf32>,
      %select_n3A_240 = arith.select %lt3A_212, %get3A_221, %get3A_230 : vector<16xi1>, vector<16xf32>
      %swap3A_241 = arith.constant 0 : i32
      %swap3A_242 = arith.constant 1 : i32
      %swap3A_243 = arith.constant 0 : i32
      %swap3A_244 = arith.index_cast %swap3A_241 : i32 to index
      %swap3A_245 = arith.index_cast %swap3A_242 : i32 to index
      %swap3A_246 = arith.index_cast %swap3A_243 : i32 to index
      %swap3A_247 = arith.constant 0 : index
      %swap3A_248 = tpu.vector_load %arg7[%swap3A_244, %swap3A_245, %swap3A_246, %swap3A_247] {strides = array<i32>} : memref<2x2x8x768xf32, #tpu.memory_space<vmem>>, vector<1x1x1x16xf32>,
      %swap3A_249 = vector.shape_cast %swap3A_248 : vector<1x1x1x16xf32> to vector<16xf32>
      %swap3A_250 = vector.shape_cast %select_n3A_240 : vector<16xf32> to vector<1x1x1x16xf32>
      tpu.vector_store %arg7[%swap3A_244, %swap3A_245, %swap3A_246, %swap3A_247], %swap3A_250 {strides = array<i32>} : memref<2x2x8x768xf32, #tpu.memory_space<vmem>>, vector<1x1x1x16xf32>,
      %mul3A_251 = arith.constant 8 : i32
      %mul3A_252 = arith.muli %mul3A_146, %mul3A_251 : i32
      %add3A_253 = arith.addi %mul3A_4, %mul3A_252 : i32
      %dma_start3A_254 = arith.constant 0 : i32
      %dma_start3A_255 = arith.constant 0 : i32
      %dma_start3A_256 = arith.constant 0 : i32
      %dma_start3A_257 = arith.constant 0 : i32
      %dma_start3A_258 = arith.constant 0 : i32
      %dma_start3A_259 = arith.constant 0 : i32
      %dma_start3A_260 = arith.constant 0 : i32
      %dma_start3A_261 = tpu.memref_slice %arg7[%dma_start3A_254, %dma_start3A_255, %dma_start3A_259, %dma_start3A_260] : memref<2x2x8x768xf32, #tpu.memory_space<vmem>> -> memref<1x1x8x768xf32, #tpu.memory_space<vmem>>
      %dma_start3A_262 = tpu.memref_squeeze %dma_start3A_261 : memref<1x1x8x768xf32, #tpu.memory_space<vmem>> -> memref<8x768xf32, #tpu.memory_space<vmem>>
      %dma_start3A_263 = arith.constant 0 : i32
      %dma_start3A_264 = tpu.memref_slice %arg5[%dma_start3A_256, %shift_right_arithmetic3A_1, %add3A_253, %dma_start3A_263] : memref<2x8x576x768xf32, #tpu.memory_space<hbm>> -> memref<1x1x8x768xf32, #tpu.memory_space<hbm>>
      %dma_start3A_265 = tpu.memref_squeeze %dma_start3A_264 : memref<1x1x8x768xf32, #tpu.memory_space<hbm>> -> memref<8x768xf32, #tpu.memory_space<hbm>>
      %dma_start3A_266 = tpu.memref_slice %arg11[%dma_start3A_257, %dma_start3A_258] : memref<2x2x!tpu.dma_semaphore, #tpu.memory_space<semaphore_mem>> -> memref<1x1x!tpu.dma_semaphore, #tpu.memory_space<semaphore_mem>>
      %dma_start3A_267 = tpu.memref_squeeze %dma_start3A_266 : memref<1x1x!tpu.dma_semaphore, #tpu.memory_space<semaphore_mem>> -> memref<!tpu.dma_semaphore, #tpu.memory_space<semaphore_mem>>
      %dma_start3A_268 = arith.constant 0 : i32
      %dma_start3A_269 = tpu.memref_slice %arg5[%dma_start3A_256, %shift_right_arithmetic3A_1, %add3A_253, %dma_start3A_268] : memref<2x8x576x768xf32, #tpu.memory_space<hbm>> -> memref<1x1x8x768xf32, #tpu.memory_space<hbm>>
      %dma_start3A_270 = tpu.memref_squeeze %dma_start3A_269 : memref<1x1x8x768xf32, #tpu.memory_space<hbm>> -> memref<8x768xf32, #tpu.memory_space<hbm>>
      %dma_start3A_271 = arith.constant 0 : i32
      %dma_start3A_272 = arith.constant 0 : i32
      %dma_start3A_273 = tpu.memref_slice %arg7[%dma_start3A_254, %dma_start3A_255, %dma_start3A_271, %dma_start3A_272] : memref<2x2x8x768xf32, #tpu.memory_space<vmem>> -> memref<1x1x8x768xf32, #tpu.memory_space<vmem>>
      %dma_start3A_274 = tpu.memref_squeeze %dma_start3A_273 : memref<1x1x8x768xf32, #tpu.memory_space<vmem>> -> memref<8x768xf32, #tpu.memory_space<vmem>>
      tpu.enqueue_dma source(%dma_start3A_274 : memref<8x768xf32, #tpu.memory_space<vmem>>) target(%dma_start3A_270 : memref<8x768xf32, #tpu.memory_space<hbm>>) target_semaphore(%dma_start3A_267 : memref<!tpu.dma_semaphore, #tpu.memory_space<semaphore_mem>>)
      %dma_start3A_275 = arith.constant 0 : i32
      %dma_start3A_276 = arith.constant 1 : i32
      %dma_start3A_277 = arith.constant 1 : i32
      %dma_start3A_278 = arith.constant 0 : i32
      %dma_start3A_279 = arith.constant 1 : i32
      %dma_start3A_280 = arith.constant 0 : i32
      %dma_start3A_281 = arith.constant 0 : i32
      %dma_start3A_282 = tpu.memref_slice %arg7[%dma_start3A_275, %dma_start3A_276, %dma_start3A_280, %dma_start3A_281] : memref<2x2x8x768xf32, #tpu.memory_space<vmem>> -> memref<1x1x8x768xf32, #tpu.memory_space<vmem>>
      %dma_start3A_283 = tpu.memref_squeeze %dma_start3A_282 : memref<1x1x8x768xf32, #tpu.memory_space<vmem>> -> memref<8x768xf32, #tpu.memory_space<vmem>>
      %dma_start3A_284 = arith.constant 0 : i32
      %dma_start3A_285 = tpu.memref_slice %arg5[%dma_start3A_277, %shift_right_arithmetic3A_1, %add3A_253, %dma_start3A_284] : memref<2x8x576x768xf32, #tpu.memory_space<hbm>> -> memref<1x1x8x768xf32, #tpu.memory_space<hbm>>
      %dma_start3A_286 = tpu.memref_squeeze %dma_start3A_285 : memref<1x1x8x768xf32, #tpu.memory_space<hbm>> -> memref<8x768xf32, #tpu.memory_space<hbm>>
      %dma_start3A_287 = tpu.memref_slice %arg11[%dma_start3A_278, %dma_start3A_279] : memref<2x2x!tpu.dma_semaphore, #tpu.memory_space<semaphore_mem>> -> memref<1x1x!tpu.dma_semaphore, #tpu.memory_space<semaphore_mem>>
      %dma_start3A_288 = tpu.memref_squeeze %dma_start3A_287 : memref<1x1x!tpu.dma_semaphore, #tpu.memory_space<semaphore_mem>> -> memref<!tpu.dma_semaphore, #tpu.memory_space<semaphore_mem>>
      %dma_start3A_289 = arith.constant 0 : i32
      %dma_start3A_290 = tpu.memref_slice %arg5[%dma_start3A_277, %shift_right_arithmetic3A_1, %add3A_253, %dma_start3A_289] : memref<2x8x576x768xf32, #tpu.memory_space<hbm>> -> memref<1x1x8x768xf32, #tpu.memory_space<hbm>>
      %dma_start3A_291 = tpu.memref_squeeze %dma_start3A_290 : memref<1x1x8x768xf32, #tpu.memory_space<hbm>> -> memref<8x768xf32, #tpu.memory_space<hbm>>
      %dma_start3A_292 = arith.constant 0 : i32
      %dma_start3A_293 = arith.constant 0 : i32
      %dma_start3A_294 = tpu.memref_slice %arg7[%dma_start3A_275, %dma_start3A_276, %dma_start3A_292, %dma_start3A_293] : memref<2x2x8x768xf32, #tpu.memory_space<vmem>> -> memref<1x1x8x768xf32, #tpu.memory_space<vmem>>
      %dma_start3A_295 = tpu.memref_squeeze %dma_start3A_294 : memref<1x1x8x768xf32, #tpu.memory_space<vmem>> -> memref<8x768xf32, #tpu.memory_space<vmem>>
      tpu.enqueue_dma source(%dma_start3A_295 : memref<8x768xf32, #tpu.memory_space<vmem>>) target(%dma_start3A_291 : memref<8x768xf32, #tpu.memory_space<hbm>>) target_semaphore(%dma_start3A_288 : memref<!tpu.dma_semaphore, #tpu.memory_space<semaphore_mem>>)
      %mul3A_296 = arith.constant 2 : i32
      %mul3A_297 = arith.muli %scan3A_143, %mul3A_296 : i32
      %add3A_298 = arith.constant 1 : i32
      %add3A_299 = arith.addi %mul3A_297, %add3A_298 : i32
      %add3A_300 = arith.constant 1 : i32
      %add3A_301 = arith.addi %add3A_299, %add3A_300 : i32
      %lt3A_302 = arith.constant 18 : i32
      %lt3A_303 = arith.cmpi slt, %add3A_301, %lt3A_302 : i32
      %convert_element_type3A_304 = arith.extui %lt3A_303 : i1 to i32
      %cond3A_305 = arith.constant 0 : i32
      %cond3A_306 = arith.cmpi ne, %convert_element_type3A_304, %cond3A_305 : i32
      scf.if %cond3A_306 {
        %add3A_457 = arith.constant 1 : i32
        %add3A_458 = arith.addi %add3A_299, %add3A_457 : i32
        %mul3A_459 = arith.constant 8 : i32
        %mul3A_460 = arith.muli %add3A_458, %mul3A_459 : i32
        %add3A_461 = arith.addi %mul3A_4, %mul3A_460 : i32
        %add3A_462 = arith.constant 8 : i32
        %add3A_463 = arith.addi %shift_right_arithmetic3A_1, %add3A_462 : i32
        %dma_start3A_464 = arith.constant 0 : i32
        %dma_start3A_465 = arith.constant 0 : i32
        %dma_start3A_466 = arith.constant 0 : i32
        %dma_start3A_467 = arith.constant 0 : i32
        %dma_start3A_468 = arith.constant 0 : i32
        %dma_start3A_469 = arith.constant 0 : i32
        %dma_start3A_470 = tpu.memref_slice %arg6[%dma_start3A_464, %dma_start3A_465, %dma_start3A_468, %dma_start3A_469] : memref<2x2x8x768xf32, #tpu.memory_space<vmem>> -> memref<1x1x8x768xf32, #tpu.memory_space<vmem>>
        %dma_start3A_471 = tpu.memref_squeeze %dma_start3A_470 : memref<1x1x8x768xf32, #tpu.memory_space<vmem>> -> memref<8x768xf32, #tpu.memory_space<vmem>>
        %dma_start3A_472 = arith.constant 0 : i32
        %dma_start3A_473 = tpu.memref_slice %arg2[%shift_right_arithmetic3A_1, %add3A_461, %dma_start3A_472] : memref<16x576x768xf32, #tpu.memory_space<hbm>> -> memref<1x8x768xf32, #tpu.memory_space<hbm>>
        %dma_start3A_474 = tpu.memref_squeeze %dma_start3A_473 : memref<1x8x768xf32, #tpu.memory_space<hbm>> -> memref<8x768xf32, #tpu.memory_space<hbm>>
        %dma_start3A_475 = tpu.memref_slice %arg10[%dma_start3A_466, %dma_start3A_467] : memref<2x2x!tpu.dma_semaphore, #tpu.memory_space<semaphore_mem>> -> memref<1x1x!tpu.dma_semaphore, #tpu.memory_space<semaphore_mem>>
        %dma_start3A_476 = tpu.memref_squeeze %dma_start3A_475 : memref<1x1x!tpu.dma_semaphore, #tpu.memory_space<semaphore_mem>> -> memref<!tpu.dma_semaphore, #tpu.memory_space<semaphore_mem>>
        %dma_start3A_477 = arith.constant 0 : i32
        %dma_start3A_478 = arith.constant 0 : i32
        %dma_start3A_479 = tpu.memref_slice %arg6[%dma_start3A_464, %dma_start3A_465, %dma_start3A_477, %dma_start3A_478] : memref<2x2x8x768xf32, #tpu.memory_space<vmem>> -> memref<1x1x8x768xf32, #tpu.memory_space<vmem>>
        %dma_start3A_480 = tpu.memref_squeeze %dma_start3A_479 : memref<1x1x8x768xf32, #tpu.memory_space<vmem>> -> memref<8x768xf32, #tpu.memory_space<vmem>>
        %dma_start3A_481 = arith.constant 0 : i32
        %dma_start3A_482 = tpu.memref_slice %arg2[%shift_right_arithmetic3A_1, %add3A_461, %dma_start3A_481] : memref<16x576x768xf32, #tpu.memory_space<hbm>> -> memref<1x8x768xf32, #tpu.memory_space<hbm>>
        %dma_start3A_483 = tpu.memref_squeeze %dma_start3A_482 : memref<1x8x768xf32, #tpu.memory_space<hbm>> -> memref<8x768xf32, #tpu.memory_space<hbm>>
        tpu.enqueue_dma source(%dma_start3A_483 : memref<8x768xf32, #tpu.memory_space<hbm>>) target(%dma_start3A_480 : memref<8x768xf32, #tpu.memory_space<vmem>>) target_semaphore(%dma_start3A_476 : memref<!tpu.dma_semaphore, #tpu.memory_space<semaphore_mem>>)
        %dma_start3A_484 = arith.constant 0 : i32
        %dma_start3A_485 = arith.constant 1 : i32
        %dma_start3A_486 = arith.constant 0 : i32
        %dma_start3A_487 = arith.constant 1 : i32
        %dma_start3A_488 = arith.constant 0 : i32
        %dma_start3A_489 = arith.constant 0 : i32
        %dma_start3A_490 = tpu.memref_slice %arg6[%dma_start3A_484, %dma_start3A_485, %dma_start3A_488, %dma_start3A_489] : memref<2x2x8x768xf32, #tpu.memory_space<vmem>> -> memref<1x1x8x768xf32, #tpu.memory_space<vmem>>
        %dma_start3A_491 = tpu.memref_squeeze %dma_start3A_490 : memref<1x1x8x768xf32, #tpu.memory_space<vmem>> -> memref<8x768xf32, #tpu.memory_space<vmem>>
        %dma_start3A_492 = arith.constant 0 : i32
        %dma_start3A_493 = tpu.memref_slice %arg2[%add3A_463, %add3A_461, %dma_start3A_492] : memref<16x576x768xf32, #tpu.memory_space<hbm>> -> memref<1x8x768xf32, #tpu.memory_space<hbm>>
        %dma_start3A_494 = tpu.memref_squeeze %dma_start3A_493 : memref<1x8x768xf32, #tpu.memory_space<hbm>> -> memref<8x768xf32, #tpu.memory_space<hbm>>
        %dma_start3A_495 = tpu.memref_slice %arg10[%dma_start3A_486, %dma_start3A_487] : memref<2x2x!tpu.dma_semaphore, #tpu.memory_space<semaphore_mem>> -> memref<1x1x!tpu.dma_semaphore, #tpu.memory_space<semaphore_mem>>
        %dma_start3A_496 = tpu.memref_squeeze %dma_start3A_495 : memref<1x1x!tpu.dma_semaphore, #tpu.memory_space<semaphore_mem>> -> memref<!tpu.dma_semaphore, #tpu.memory_space<semaphore_mem>>
        %dma_start3A_497 = arith.constant 0 : i32
        %dma_start3A_498 = arith.constant 0 : i32
        %dma_start3A_499 = tpu.memref_slice %arg6[%dma_start3A_484, %dma_start3A_485, %dma_start3A_497, %dma_start3A_498] : memref<2x2x8x768xf32, #tpu.memory_space<vmem>> -> memref<1x1x8x768xf32, #tpu.memory_space<vmem>>
        %dma_start3A_500 = tpu.memref_squeeze %dma_start3A_499 : memref<1x1x8x768xf32, #tpu.memory_space<vmem>> -> memref<8x768xf32, #tpu.memory_space<vmem>>
        %dma_start3A_501 = arith.constant 0 : i32
        %dma_start3A_502 = tpu.memref_slice %arg2[%add3A_463, %add3A_461, %dma_start3A_501] : memref<16x576x768xf32, #tpu.memory_space<hbm>> -> memref<1x8x768xf32, #tpu.memory_space<hbm>>
        %dma_start3A_503 = tpu.memref_squeeze %dma_start3A_502 : memref<1x8x768xf32, #tpu.memory_space<hbm>> -> memref<8x768xf32, #tpu.memory_space<hbm>>
        tpu.enqueue_dma source(%dma_start3A_503 : memref<8x768xf32, #tpu.memory_space<hbm>>) target(%dma_start3A_500 : memref<8x768xf32, #tpu.memory_space<vmem>>) target_semaphore(%dma_start3A_496 : memref<!tpu.dma_semaphore, #tpu.memory_space<semaphore_mem>>)
      } else {
      }
      %mul3A_307 = arith.constant 8 : i32
      %mul3A_308 = arith.muli %add3A_299, %mul3A_307 : i32
      %add3A_309 = arith.addi %mul3A_4, %mul3A_308 : i32
      %add3A_310 = arith.constant 8 : i32
      %add3A_311 = arith.addi %shift_right_arithmetic3A_1, %add3A_310 : i32
      %dma_wait3A_312 = arith.constant 1 : i32
      %dma_wait3A_313 = arith.constant 0 : i32
      %dma_wait3A_314 = arith.constant 1 : i32
      %dma_wait3A_315 = arith.constant 0 : i32
      %dma_wait3A_316 = arith.constant 0 : i32
      %dma_wait3A_317 = arith.constant 0 : i32
      %dma_wait3A_318 = tpu.memref_slice %arg6[%dma_wait3A_312, %dma_wait3A_313, %dma_wait3A_316, %dma_wait3A_317] : memref<2x2x8x768xf32, #tpu.memory_space<vmem>> -> memref<1x1x8x768xf32, #tpu.memory_space<vmem>>
      %dma_wait3A_319 = tpu.memref_squeeze %dma_wait3A_318 : memref<1x1x8x768xf32, #tpu.memory_space<vmem>> -> memref<8x768xf32, #tpu.memory_space<vmem>>
      %dma_wait3A_320 = arith.constant 0 : i32
      %dma_wait3A_321 = tpu.memref_slice %arg2[%shift_right_arithmetic3A_1, %add3A_309, %dma_wait3A_320] : memref<16x576x768xf32, #tpu.memory_space<hbm>> -> memref<1x8x768xf32, #tpu.memory_space<hbm>>
      %dma_wait3A_322 = tpu.memref_squeeze %dma_wait3A_321 : memref<1x8x768xf32, #tpu.memory_space<hbm>> -> memref<8x768xf32, #tpu.memory_space<hbm>>
      %dma_wait3A_323 = tpu.memref_slice %arg10[%dma_wait3A_314, %dma_wait3A_315] : memref<2x2x!tpu.dma_semaphore, #tpu.memory_space<semaphore_mem>> -> memref<1x1x!tpu.dma_semaphore, #tpu.memory_space<semaphore_mem>>
      %dma_wait3A_324 = tpu.memref_squeeze %dma_wait3A_323 : memref<1x1x!tpu.dma_semaphore, #tpu.memory_space<semaphore_mem>> -> memref<!tpu.dma_semaphore, #tpu.memory_space<semaphore_mem>>
      %dma_wait3A_325 = arith.constant 0 : i32
      %dma_wait3A_326 = arith.constant 0 : i32
      %dma_wait3A_327 = tpu.memref_slice %arg6[%dma_wait3A_312, %dma_wait3A_313, %dma_wait3A_325, %dma_wait3A_326] : memref<2x2x8x768xf32, #tpu.memory_space<vmem>> -> memref<1x1x8x768xf32, #tpu.memory_space<vmem>>
      %dma_wait3A_328 = tpu.memref_squeeze %dma_wait3A_327 : memref<1x1x8x768xf32, #tpu.memory_space<vmem>> -> memref<8x768xf32, #tpu.memory_space<vmem>>
      %dma_wait3A_329 = arith.constant 0 : i32
      %dma_wait3A_330 = tpu.memref_slice %arg2[%shift_right_arithmetic3A_1, %add3A_309, %dma_wait3A_329] : memref<16x576x768xf32, #tpu.memory_space<hbm>> -> memref<1x8x768xf32, #tpu.memory_space<hbm>>
      %dma_wait3A_331 = tpu.memref_squeeze %dma_wait3A_330 : memref<1x8x768xf32, #tpu.memory_space<hbm>> -> memref<8x768xf32, #tpu.memory_space<hbm>>
      tpu.wait_dma2 semaphore(%dma_wait3A_324 : memref<!tpu.dma_semaphore, #tpu.memory_space<semaphore_mem>>) src(%dma_wait3A_331 : memref<8x768xf32, #tpu.memory_space<hbm>>) dst(%dma_wait3A_328 : memref<8x768xf32, #tpu.memory_space<vmem>>)
      %dma_wait3A_332 = arith.constant 1 : i32
      %dma_wait3A_333 = arith.constant 1 : i32
      %dma_wait3A_334 = arith.constant 1 : i32
      %dma_wait3A_335 = arith.constant 1 : i32
      %dma_wait3A_336 = arith.constant 0 : i32
      %dma_wait3A_337 = arith.constant 0 : i32
      %dma_wait3A_338 = tpu.memref_slice %arg6[%dma_wait3A_332, %dma_wait3A_333, %dma_wait3A_336, %dma_wait3A_337] : memref<2x2x8x768xf32, #tpu.memory_space<vmem>> -> memref<1x1x8x768xf32, #tpu.memory_space<vmem>>
      %dma_wait3A_339 = tpu.memref_squeeze %dma_wait3A_338 : memref<1x1x8x768xf32, #tpu.memory_space<vmem>> -> memref<8x768xf32, #tpu.memory_space<vmem>>
      %dma_wait3A_340 = arith.constant 0 : i32
      %dma_wait3A_341 = tpu.memref_slice %arg2[%add3A_311, %add3A_309, %dma_wait3A_340] : memref<16x576x768xf32, #tpu.memory_space<hbm>> -> memref<1x8x768xf32, #tpu.memory_space<hbm>>
      %dma_wait3A_342 = tpu.memref_squeeze %dma_wait3A_341 : memref<1x8x768xf32, #tpu.memory_space<hbm>> -> memref<8x768xf32, #tpu.memory_space<hbm>>
      %dma_wait3A_343 = tpu.memref_slice %arg10[%dma_wait3A_334, %dma_wait3A_335] : memref<2x2x!tpu.dma_semaphore, #tpu.memory_space<semaphore_mem>> -> memref<1x1x!tpu.dma_semaphore, #tpu.memory_space<semaphore_mem>>
      %dma_wait3A_344 = tpu.memref_squeeze %dma_wait3A_343 : memref<1x1x!tpu.dma_semaphore, #tpu.memory_space<semaphore_mem>> -> memref<!tpu.dma_semaphore, #tpu.memory_space<semaphore_mem>>
      %dma_wait3A_345 = arith.constant 0 : i32
      %dma_wait3A_346 = arith.constant 0 : i32
      %dma_wait3A_347 = tpu.memref_slice %arg6[%dma_wait3A_332, %dma_wait3A_333, %dma_wait3A_345, %dma_wait3A_346] : memref<2x2x8x768xf32, #tpu.memory_space<vmem>> -> memref<1x1x8x768xf32, #tpu.memory_space<vmem>>
      %dma_wait3A_348 = tpu.memref_squeeze %dma_wait3A_347 : memref<1x1x8x768xf32, #tpu.memory_space<vmem>> -> memref<8x768xf32, #tpu.memory_space<vmem>>
      %dma_wait3A_349 = arith.constant 0 : i32
      %dma_wait3A_350 = tpu.memref_slice %arg2[%add3A_311, %add3A_309, %dma_wait3A_349] : memref<16x576x768xf32, #tpu.memory_space<hbm>> -> memref<1x8x768xf32, #tpu.memory_space<hbm>>
      %dma_wait3A_351 = tpu.memref_squeeze %dma_wait3A_350 : memref<1x8x768xf32, #tpu.memory_space<hbm>> -> memref<8x768xf32, #tpu.memory_space<hbm>>
      tpu.wait_dma2 semaphore(%dma_wait3A_344 : memref<!tpu.dma_semaphore, #tpu.memory_space<semaphore_mem>>) src(%dma_wait3A_351 : memref<8x768xf32, #tpu.memory_space<hbm>>) dst(%dma_wait3A_348 : memref<8x768xf32, #tpu.memory_space<vmem>>)
      %ge3A_352 = arith.constant 2 : i32
      %ge3A_353 = arith.cmpi sge, %add3A_299, %ge3A_352 : i32
      %convert_element_type3A_354 = arith.extui %ge3A_353 : i1 to i32
      %cond3A_355 = arith.constant 0 : i32
      %cond3A_356 = arith.cmpi ne, %convert_element_type3A_354, %cond3A_355 : i32
      scf.if %cond3A_356 {
        %mul3A_457 = arith.constant 8 : i32
        %mul3A_458 = arith.muli %add3A_299, %mul3A_457 : i32
        %add3A_459 = arith.addi %mul3A_4, %mul3A_458 : i32
        %dma_wait3A_460 = arith.constant 1 : i32
        %dma_wait3A_461 = arith.constant 0 : i32
        %dma_wait3A_462 = arith.constant 0 : i32
        %dma_wait3A_463 = arith.constant 1 : i32
        %dma_wait3A_464 = arith.constant 0 : i32
        %dma_wait3A_465 = arith.constant 0 : i32
        %dma_wait3A_466 = arith.constant 0 : i32
        %dma_wait3A_467 = tpu.memref_slice %arg7[%dma_wait3A_460, %dma_wait3A_461, %dma_wait3A_465, %dma_wait3A_466] : memref<2x2x8x768xf32, #tpu.memory_space<vmem>> -> memref<1x1x8x768xf32, #tpu.memory_space<vmem>>
        %dma_wait3A_468 = tpu.memref_squeeze %dma_wait3A_467 : memref<1x1x8x768xf32, #tpu.memory_space<vmem>> -> memref<8x768xf32, #tpu.memory_space<vmem>>
        %dma_wait3A_469 = arith.constant 0 : i32
        %dma_wait3A_470 = tpu.memref_slice %arg5[%dma_wait3A_462, %shift_right_arithmetic3A_1, %add3A_459, %dma_wait3A_469] : memref<2x8x576x768xf32, #tpu.memory_space<hbm>> -> memref<1x1x8x768xf32, #tpu.memory_space<hbm>>
        %dma_wait3A_471 = tpu.memref_squeeze %dma_wait3A_470 : memref<1x1x8x768xf32, #tpu.memory_space<hbm>> -> memref<8x768xf32, #tpu.memory_space<hbm>>
        %dma_wait3A_472 = tpu.memref_slice %arg11[%dma_wait3A_463, %dma_wait3A_464] : memref<2x2x!tpu.dma_semaphore, #tpu.memory_space<semaphore_mem>> -> memref<1x1x!tpu.dma_semaphore, #tpu.memory_space<semaphore_mem>>
        %dma_wait3A_473 = tpu.memref_squeeze %dma_wait3A_472 : memref<1x1x!tpu.dma_semaphore, #tpu.memory_space<semaphore_mem>> -> memref<!tpu.dma_semaphore, #tpu.memory_space<semaphore_mem>>
        %dma_wait3A_474 = arith.constant 0 : i32
        %dma_wait3A_475 = tpu.memref_slice %arg5[%dma_wait3A_462, %shift_right_arithmetic3A_1, %add3A_459, %dma_wait3A_474] : memref<2x8x576x768xf32, #tpu.memory_space<hbm>> -> memref<1x1x8x768xf32, #tpu.memory_space<hbm>>
        %dma_wait3A_476 = tpu.memref_squeeze %dma_wait3A_475 : memref<1x1x8x768xf32, #tpu.memory_space<hbm>> -> memref<8x768xf32, #tpu.memory_space<hbm>>
        %dma_wait3A_477 = arith.constant 0 : i32
        %dma_wait3A_478 = arith.constant 0 : i32
        %dma_wait3A_479 = tpu.memref_slice %arg7[%dma_wait3A_460, %dma_wait3A_461, %dma_wait3A_477, %dma_wait3A_478] : memref<2x2x8x768xf32, #tpu.memory_space<vmem>> -> memref<1x1x8x768xf32, #tpu.memory_space<vmem>>
        %dma_wait3A_480 = tpu.memref_squeeze %dma_wait3A_479 : memref<1x1x8x768xf32, #tpu.memory_space<vmem>> -> memref<8x768xf32, #tpu.memory_space<vmem>>
        tpu.wait_dma2 semaphore(%dma_wait3A_473 : memref<!tpu.dma_semaphore, #tpu.memory_space<semaphore_mem>>) src(%dma_wait3A_480 : memref<8x768xf32, #tpu.memory_space<vmem>>) dst(%dma_wait3A_476 : memref<8x768xf32, #tpu.memory_space<hbm>>)
        %dma_wait3A_481 = arith.constant 1 : i32
        %dma_wait3A_482 = arith.constant 1 : i32
        %dma_wait3A_483 = arith.constant 1 : i32
        %dma_wait3A_484 = arith.constant 1 : i32
        %dma_wait3A_485 = arith.constant 1 : i32
        %dma_wait3A_486 = arith.constant 0 : i32
        %dma_wait3A_487 = arith.constant 0 : i32
        %dma_wait3A_488 = tpu.memref_slice %arg7[%dma_wait3A_481, %dma_wait3A_482, %dma_wait3A_486, %dma_wait3A_487] : memref<2x2x8x768xf32, #tpu.memory_space<vmem>> -> memref<1x1x8x768xf32, #tpu.memory_space<vmem>>
        %dma_wait3A_489 = tpu.memref_squeeze %dma_wait3A_488 : memref<1x1x8x768xf32, #tpu.memory_space<vmem>> -> memref<8x768xf32, #tpu.memory_space<vmem>>
        %dma_wait3A_490 = arith.constant 0 : i32
        %dma_wait3A_491 = tpu.memref_slice %arg5[%dma_wait3A_483, %shift_right_arithmetic3A_1, %add3A_459, %dma_wait3A_490] : memref<2x8x576x768xf32, #tpu.memory_space<hbm>> -> memref<1x1x8x768xf32, #tpu.memory_space<hbm>>
        %dma_wait3A_492 = tpu.memref_squeeze %dma_wait3A_491 : memref<1x1x8x768xf32, #tpu.memory_space<hbm>> -> memref<8x768xf32, #tpu.memory_space<hbm>>
        %dma_wait3A_493 = tpu.memref_slice %arg11[%dma_wait3A_484, %dma_wait3A_485] : memref<2x2x!tpu.dma_semaphore, #tpu.memory_space<semaphore_mem>> -> memref<1x1x!tpu.dma_semaphore, #tpu.memory_space<semaphore_mem>>
        %dma_wait3A_494 = tpu.memref_squeeze %dma_wait3A_493 : memref<1x1x!tpu.dma_semaphore, #tpu.memory_space<semaphore_mem>> -> memref<!tpu.dma_semaphore, #tpu.memory_space<semaphore_mem>>
        %dma_wait3A_495 = arith.constant 0 : i32
        %dma_wait3A_496 = tpu.memref_slice %arg5[%dma_wait3A_483, %shift_right_arithmetic3A_1, %add3A_459, %dma_wait3A_495] : memref<2x8x576x768xf32, #tpu.memory_space<hbm>> -> memref<1x1x8x768xf32, #tpu.memory_space<hbm>>
        %dma_wait3A_497 = tpu.memref_squeeze %dma_wait3A_496 : memref<1x1x8x768xf32, #tpu.memory_space<hbm>> -> memref<8x768xf32, #tpu.memory_space<hbm>>
        %dma_wait3A_498 = arith.constant 0 : i32
        %dma_wait3A_499 = arith.constant 0 : i32
        %dma_wait3A_500 = tpu.memref_slice %arg7[%dma_wait3A_481, %dma_wait3A_482, %dma_wait3A_498, %dma_wait3A_499] : memref<2x2x8x768xf32, #tpu.memory_space<vmem>> -> memref<1x1x8x768xf32, #tpu.memory_space<vmem>>
        %dma_wait3A_501 = tpu.memref_squeeze %dma_wait3A_500 : memref<1x1x8x768xf32, #tpu.memory_space<vmem>> -> memref<8x768xf32, #tpu.memory_space<vmem>>
        tpu.wait_dma2 semaphore(%dma_wait3A_494 : memref<!tpu.dma_semaphore, #tpu.memory_space<semaphore_mem>>) src(%dma_wait3A_501 : memref<8x768xf32, #tpu.memory_space<vmem>>) dst(%dma_wait3A_497 : memref<8x768xf32, #tpu.memory_space<hbm>>)
      } else {
      }
      %get3A_357 = arith.constant 0 : i32
      %get3A_358 = arith.index_cast %get3A_357 : i32 to index
      %get3A_359 = arith.constant 0 : index
      %get3A_360 = tpu.vector_load %arg8[%get3A_358, %get3A_359] {strides = array<i32>} : memref<2x768xf32, #tpu.memory_space<vmem>>, vector<1x16xf32>,
      %get3A_361 = vector.shape_cast %get3A_360 : vector<1x16xf32> to vector<16xf32>
      %abs3A_362 = math.absf %get3A_361 : vector<16xf32>
      %lt3A_363 = arith.cmpf olt, %abs3A_362, %get3A_6 : vector<16xf32>
      %get3A_364 = arith.constant 1 : i32
      %get3A_365 = arith.index_cast %get3A_364 : i32 to index
      %get3A_366 = arith.constant 0 : index
      %get3A_367 = tpu.vector_load %arg8[%get3A_365, %get3A_366] {strides = array<i32>} : memref<2x768xf32, #tpu.memory_space<vmem>>, vector<1x16xf32>,
      %get3A_368 = vector.shape_cast %get3A_367 : vector<1x16xf32> to vector<16xf32>
      %abs3A_369 = math.absf %get3A_368 : vector<16xf32>
      %lt3A_370 = arith.cmpf olt, %abs3A_369, %get3A_6 : vector<16xf32>
      %get3A_371 = arith.constant 1 : i32
      %get3A_372 = arith.constant 0 : i32
      %get3A_373 = arith.constant 0 : i32
      %get3A_374 = arith.index_cast %get3A_371 : i32 to index
      %get3A_375 = arith.index_cast %get3A_372 : i32 to index
      %get3A_376 = arith.index_cast %get3A_373 : i32 to index
      %get3A_377 = arith.constant 0 : index
      %get3A_378 = tpu.vector_load %arg6[%get3A_374, %get3A_375, %get3A_376, %get3A_377] {strides = array<i32>} : memref<2x2x8x768xf32, #tpu.memory_space<vmem>>, vector<1x1x1x16xf32>,
      %get3A_379 = vector.shape_cast %get3A_378 : vector<1x1x1x16xf32> to vector<16xf32>
      %get3A_380 = arith.constant 1 : i32
      %get3A_381 = arith.constant 1 : i32
      %get3A_382 = arith.constant 0 : i32
      %get3A_383 = arith.index_cast %get3A_380 : i32 to index
      %get3A_384 = arith.index_cast %get3A_381 : i32 to index
      %get3A_385 = arith.index_cast %get3A_382 : i32 to index
      %get3A_386 = arith.constant 0 : index
      %get3A_387 = tpu.vector_load %arg6[%get3A_383, %get3A_384, %get3A_385, %get3A_386] {strides = array<i32>} : memref<2x2x8x768xf32, #tpu.memory_space<vmem>>, vector<1x1x1x16xf32>,
      %get3A_388 = vector.shape_cast %get3A_387 : vector<1x1x1x16xf32> to vector<16xf32>
      %select_n3A_389 = arith.select %lt3A_363, %get3A_388, %get3A_379 : vector<16xi1>, vector<16xf32>
      %swap3A_390 = arith.constant 1 : i32
      %swap3A_391 = arith.constant 0 : i32
      %swap3A_392 = arith.constant 0 : i32
      %swap3A_393 = arith.index_cast %swap3A_390 : i32 to index
      %swap3A_394 = arith.index_cast %swap3A_391 : i32 to index
      %swap3A_395 = arith.index_cast %swap3A_392 : i32 to index
      %swap3A_396 = arith.constant 0 : index
      %swap3A_397 = tpu.vector_load %arg7[%swap3A_393, %swap3A_394, %swap3A_395, %swap3A_396] {strides = array<i32>} : memref<2x2x8x768xf32, #tpu.memory_space<vmem>>, vector<1x1x1x16xf32>,
      %swap3A_398 = vector.shape_cast %swap3A_397 : vector<1x1x1x16xf32> to vector<16xf32>
      %swap3A_399 = vector.shape_cast %select_n3A_389 : vector<16xf32> to vector<1x1x1x16xf32>
      tpu.vector_store %arg7[%swap3A_393, %swap3A_394, %swap3A_395, %swap3A_396], %swap3A_399 {strides = array<i32>} : memref<2x2x8x768xf32, #tpu.memory_space<vmem>>, vector<1x1x1x16xf32>,
      %select_n3A_400 = arith.select %lt3A_370, %get3A_379, %get3A_388 : vector<16xi1>, vector<16xf32>
      %swap3A_401 = arith.constant 1 : i32
      %swap3A_402 = arith.constant 1 : i32
      %swap3A_403 = arith.constant 0 : i32
      %swap3A_404 = arith.index_cast %swap3A_401 : i32 to index
      %swap3A_405 = arith.index_cast %swap3A_402 : i32 to index
      %swap3A_406 = arith.index_cast %swap3A_403 : i32 to index
      %swap3A_407 = arith.constant 0 : index
      %swap3A_408 = tpu.vector_load %arg7[%swap3A_404, %swap3A_405, %swap3A_406, %swap3A_407] {strides = array<i32>} : memref<2x2x8x768xf32, #tpu.memory_space<vmem>>, vector<1x1x1x16xf32>,
      %swap3A_409 = vector.shape_cast %swap3A_408 : vector<1x1x1x16xf32> to vector<16xf32>
      %swap3A_410 = vector.shape_cast %select_n3A_400 : vector<16xf32> to vector<1x1x1x16xf32>
      tpu.vector_store %arg7[%swap3A_404, %swap3A_405, %swap3A_406, %swap3A_407], %swap3A_410 {strides = array<i32>} : memref<2x2x8x768xf32, #tpu.memory_space<vmem>>, vector<1x1x1x16xf32>,
      %mul3A_411 = arith.constant 8 : i32
      %mul3A_412 = arith.muli %add3A_299, %mul3A_411 : i32
      %add3A_413 = arith.addi %mul3A_4, %mul3A_412 : i32
      %dma_start3A_414 = arith.constant 1 : i32
      %dma_start3A_415 = arith.constant 0 : i32
      %dma_start3A_416 = arith.constant 0 : i32
      %dma_start3A_417 = arith.constant 1 : i32
      %dma_start3A_418 = arith.constant 0 : i32
      %dma_start3A_419 = arith.constant 0 : i32
      %dma_start3A_420 = arith.constant 0 : i32
      %dma_start3A_421 = tpu.memref_slice %arg7[%dma_start3A_414, %dma_start3A_415, %dma_start3A_419, %dma_start3A_420] : memref<2x2x8x768xf32, #tpu.memory_space<vmem>> -> memref<1x1x8x768xf32, #tpu.memory_space<vmem>>
      %dma_start3A_422 = tpu.memref_squeeze %dma_start3A_421 : memref<1x1x8x768xf32, #tpu.memory_space<vmem>> -> memref<8x768xf32, #tpu.memory_space<vmem>>
      %dma_start3A_423 = arith.constant 0 : i32
      %dma_start3A_424 = tpu.memref_slice %arg5[%dma_start3A_416, %shift_right_arithmetic3A_1, %add3A_413, %dma_start3A_423] : memref<2x8x576x768xf32, #tpu.memory_space<hbm>> -> memref<1x1x8x768xf32, #tpu.memory_space<hbm>>
      %dma_start3A_425 = tpu.memref_squeeze %dma_start3A_424 : memref<1x1x8x768xf32, #tpu.memory_space<hbm>> -> memref<8x768xf32, #tpu.memory_space<hbm>>
      %dma_start3A_426 = tpu.memref_slice %arg11[%dma_start3A_417, %dma_start3A_418] : memref<2x2x!tpu.dma_semaphore, #tpu.memory_space<semaphore_mem>> -> memref<1x1x!tpu.dma_semaphore, #tpu.memory_space<semaphore_mem>>
      %dma_start3A_427 = tpu.memref_squeeze %dma_start3A_426 : memref<1x1x!tpu.dma_semaphore, #tpu.memory_space<semaphore_mem>> -> memref<!tpu.dma_semaphore, #tpu.memory_space<semaphore_mem>>
      %dma_start3A_428 = arith.constant 0 : i32
      %dma_start3A_429 = tpu.memref_slice %arg5[%dma_start3A_416, %shift_right_arithmetic3A_1, %add3A_413, %dma_start3A_428] : memref<2x8x576x768xf32, #tpu.memory_space<hbm>> -> memref<1x1x8x768xf32, #tpu.memory_space<hbm>>
      %dma_start3A_430 = tpu.memref_squeeze %dma_start3A_429 : memref<1x1x8x768xf32, #tpu.memory_space<hbm>> -> memref<8x768xf32, #tpu.memory_space<hbm>>
      %dma_start3A_431 = arith.constant 0 : i32
      %dma_start3A_432 = arith.constant 0 : i32
      %dma_start3A_433 = tpu.memref_slice %arg7[%dma_start3A_414, %dma_start3A_415, %dma_start3A_431, %dma_start3A_432] : memref<2x2x8x768xf32, #tpu.memory_space<vmem>> -> memref<1x1x8x768xf32, #tpu.memory_space<vmem>>
      %dma_start3A_434 = tpu.memref_squeeze %dma_start3A_433 : memref<1x1x8x768xf32, #tpu.memory_space<vmem>> -> memref<8x768xf32, #tpu.memory_space<vmem>>
      tpu.enqueue_dma source(%dma_start3A_434 : memref<8x768xf32, #tpu.memory_space<vmem>>) target(%dma_start3A_430 : memref<8x768xf32, #tpu.memory_space<hbm>>) target_semaphore(%dma_start3A_427 : memref<!tpu.dma_semaphore, #tpu.memory_space<semaphore_mem>>)
      %dma_start3A_435 = arith.constant 1 : i32
      %dma_start3A_436 = arith.constant 1 : i32
      %dma_start3A_437 = arith.constant 1 : i32
      %dma_start3A_438 = arith.constant 1 : i32
      %dma_start3A_439 = arith.constant 1 : i32
      %dma_start3A_440 = arith.constant 0 : i32
      %dma_start3A_441 = arith.constant 0 : i32
      %dma_start3A_442 = tpu.memref_slice %arg7[%dma_start3A_435, %dma_start3A_436, %dma_start3A_440, %dma_start3A_441] : memref<2x2x8x768xf32, #tpu.memory_space<vmem>> -> memref<1x1x8x768xf32, #tpu.memory_space<vmem>>
      %dma_start3A_443 = tpu.memref_squeeze %dma_start3A_442 : memref<1x1x8x768xf32, #tpu.memory_space<vmem>> -> memref<8x768xf32, #tpu.memory_space<vmem>>
      %dma_start3A_444 = arith.constant 0 : i32
      %dma_start3A_445 = tpu.memref_slice %arg5[%dma_start3A_437, %shift_right_arithmetic3A_1, %add3A_413, %dma_start3A_444] : memref<2x8x576x768xf32, #tpu.memory_space<hbm>> -> memref<1x1x8x768xf32, #tpu.memory_space<hbm>>
      %dma_start3A_446 = tpu.memref_squeeze %dma_start3A_445 : memref<1x1x8x768xf32, #tpu.memory_space<hbm>> -> memref<8x768xf32, #tpu.memory_space<hbm>>
      %dma_start3A_447 = tpu.memref_slice %arg11[%dma_start3A_438, %dma_start3A_439] : memref<2x2x!tpu.dma_semaphore, #tpu.memory_space<semaphore_mem>> -> memref<1x1x!tpu.dma_semaphore, #tpu.memory_space<semaphore_mem>>
      %dma_start3A_448 = tpu.memref_squeeze %dma_start3A_447 : memref<1x1x!tpu.dma_semaphore, #tpu.memory_space<semaphore_mem>> -> memref<!tpu.dma_semaphore, #tpu.memory_space<semaphore_mem>>
      %dma_start3A_449 = arith.constant 0 : i32
      %dma_start3A_450 = tpu.memref_slice %arg5[%dma_start3A_437, %shift_right_arithmetic3A_1, %add3A_413, %dma_start3A_449] : memref<2x8x576x768xf32, #tpu.memory_space<hbm>> -> memref<1x1x8x768xf32, #tpu.memory_space<hbm>>
      %dma_start3A_451 = tpu.memref_squeeze %dma_start3A_450 : memref<1x1x8x768xf32, #tpu.memory_space<hbm>> -> memref<8x768xf32, #tpu.memory_space<hbm>>
      %dma_start3A_452 = arith.constant 0 : i32
      %dma_start3A_453 = arith.constant 0 : i32
      %dma_start3A_454 = tpu.memref_slice %arg7[%dma_start3A_435, %dma_start3A_436, %dma_start3A_452, %dma_start3A_453] : memref<2x2x8x768xf32, #tpu.memory_space<vmem>> -> memref<1x1x8x768xf32, #tpu.memory_space<vmem>>
      %dma_start3A_455 = tpu.memref_squeeze %dma_start3A_454 : memref<1x1x8x768xf32, #tpu.memory_space<vmem>> -> memref<8x768xf32, #tpu.memory_space<vmem>>
      tpu.enqueue_dma source(%dma_start3A_455 : memref<8x768xf32, #tpu.memory_space<vmem>>) target(%dma_start3A_451 : memref<8x768xf32, #tpu.memory_space<hbm>>) target_semaphore(%dma_start3A_448 : memref<!tpu.dma_semaphore, #tpu.memory_space<semaphore_mem>>)
      %scan3A_456 = arith.constant 0 : i32
      scf.yield %scan3A_456 : i32
    }
    %scan3A_55 = arith.constant 9 : i32
    %add3A_56 = arith.constant 128 : i32
    %add3A_57 = arith.addi %mul3A_4, %add3A_56 : i32
    %dma_wait3A = arith.constant 0 : i32
    %dma_wait3A_58 = arith.constant 0 : i32
    %dma_wait3A_59 = arith.constant 0 : i32
    %dma_wait3A_60 = arith.constant 0 : i32
    %dma_wait3A_61 = arith.constant 0 : i32
    %dma_wait3A_62 = arith.constant 0 : i32
    %dma_wait3A_63 = arith.constant 0 : i32
    %dma_wait3A_64 = tpu.memref_slice %arg7[%dma_wait3A, %dma_wait3A_58, %dma_wait3A_62, %dma_wait3A_63] : memref<2x2x8x768xf32, #tpu.memory_space<vmem>> -> memref<1x1x8x768xf32, #tpu.memory_space<vmem>>
    %dma_wait3A_65 = tpu.memref_squeeze %dma_wait3A_64 : memref<1x1x8x768xf32, #tpu.memory_space<vmem>> -> memref<8x768xf32, #tpu.memory_space<vmem>>
    %dma_wait3A_66 = arith.constant 0 : i32
    %dma_wait3A_67 = tpu.memref_slice %arg5[%dma_wait3A_59, %shift_right_arithmetic3A_1, %add3A_57, %dma_wait3A_66] : memref<2x8x576x768xf32, #tpu.memory_space<hbm>> -> memref<1x1x8x768xf32, #tpu.memory_space<hbm>>
    %dma_wait3A_68 = tpu.memref_squeeze %dma_wait3A_67 : memref<1x1x8x768xf32, #tpu.memory_space<hbm>> -> memref<8x768xf32, #tpu.memory_space<hbm>>
    %dma_wait3A_69 = tpu.memref_slice %arg11[%dma_wait3A_60, %dma_wait3A_61] : memref<2x2x!tpu.dma_semaphore, #tpu.memory_space<semaphore_mem>> -> memref<1x1x!tpu.dma_semaphore, #tpu.memory_space<semaphore_mem>>
    %dma_wait3A_70 = tpu.memref_squeeze %dma_wait3A_69 : memref<1x1x!tpu.dma_semaphore, #tpu.memory_space<semaphore_mem>> -> memref<!tpu.dma_semaphore, #tpu.memory_space<semaphore_mem>>
    %dma_wait3A_71 = arith.constant 0 : i32
    %dma_wait3A_72 = tpu.memref_slice %arg5[%dma_wait3A_59, %shift_right_arithmetic3A_1, %add3A_57, %dma_wait3A_71] : memref<2x8x576x768xf32, #tpu.memory_space<hbm>> -> memref<1x1x8x768xf32, #tpu.memory_space<hbm>>
    %dma_wait3A_73 = tpu.memref_squeeze %dma_wait3A_72 : memref<1x1x8x768xf32, #tpu.memory_space<hbm>> -> memref<8x768xf32, #tpu.memory_space<hbm>>
    %dma_wait3A_74 = arith.constant 0 : i32
    %dma_wait3A_75 = arith.constant 0 : i32
    %dma_wait3A_76 = tpu.memref_slice %arg7[%dma_wait3A, %dma_wait3A_58, %dma_wait3A_74, %dma_wait3A_75] : memref<2x2x8x768xf32, #tpu.memory_space<vmem>> -> memref<1x1x8x768xf32, #tpu.memory_space<vmem>>
    %dma_wait3A_77 = tpu.memref_squeeze %dma_wait3A_76 : memref<1x1x8x768xf32, #tpu.memory_space<vmem>> -> memref<8x768xf32, #tpu.memory_space<vmem>>
    tpu.wait_dma2 semaphore(%dma_wait3A_70 : memref<!tpu.dma_semaphore, #tpu.memory_space<semaphore_mem>>) src(%dma_wait3A_77 : memref<8x768xf32, #tpu.memory_space<vmem>>) dst(%dma_wait3A_73 : memref<8x768xf32, #tpu.memory_space<hbm>>)
    %dma_wait3A_78 = arith.constant 0 : i32
    %dma_wait3A_79 = arith.constant 1 : i32
    %dma_wait3A_80 = arith.constant 1 : i32
    %dma_wait3A_81 = arith.constant 0 : i32
    %dma_wait3A_82 = arith.constant 1 : i32
    %dma_wait3A_83 = arith.constant 0 : i32
    %dma_wait3A_84 = arith.constant 0 : i32
    %dma_wait3A_85 = tpu.memref_slice %arg7[%dma_wait3A_78, %dma_wait3A_79, %dma_wait3A_83, %dma_wait3A_84] : memref<2x2x8x768xf32, #tpu.memory_space<vmem>> -> memref<1x1x8x768xf32, #tpu.memory_space<vmem>>
    %dma_wait3A_86 = tpu.memref_squeeze %dma_wait3A_85 : memref<1x1x8x768xf32, #tpu.memory_space<vmem>> -> memref<8x768xf32, #tpu.memory_space<vmem>>
    %dma_wait3A_87 = arith.constant 0 : i32
    %dma_wait3A_88 = tpu.memref_slice %arg5[%dma_wait3A_80, %shift_right_arithmetic3A_1, %add3A_57, %dma_wait3A_87] : memref<2x8x576x768xf32, #tpu.memory_space<hbm>> -> memref<1x1x8x768xf32, #tpu.memory_space<hbm>>
    %dma_wait3A_89 = tpu.memref_squeeze %dma_wait3A_88 : memref<1x1x8x768xf32, #tpu.memory_space<hbm>> -> memref<8x768xf32, #tpu.memory_space<hbm>>
    %dma_wait3A_90 = tpu.memref_slice %arg11[%dma_wait3A_81, %dma_wait3A_82] : memref<2x2x!tpu.dma_semaphore, #tpu.memory_space<semaphore_mem>> -> memref<1x1x!tpu.dma_semaphore, #tpu.memory_space<semaphore_mem>>
    %dma_wait3A_91 = tpu.memref_squeeze %dma_wait3A_90 : memref<1x1x!tpu.dma_semaphore, #tpu.memory_space<semaphore_mem>> -> memref<!tpu.dma_semaphore, #tpu.memory_space<semaphore_mem>>
    %dma_wait3A_92 = arith.constant 0 : i32
    %dma_wait3A_93 = tpu.memref_slice %arg5[%dma_wait3A_80, %shift_right_arithmetic3A_1, %add3A_57, %dma_wait3A_92] : memref<2x8x576x768xf32, #tpu.memory_space<hbm>> -> memref<1x1x8x768xf32, #tpu.memory_space<hbm>>
    %dma_wait3A_94 = tpu.memref_squeeze %dma_wait3A_93 : memref<1x1x8x768xf32, #tpu.memory_space<hbm>> -> memref<8x768xf32, #tpu.memory_space<hbm>>
    %dma_wait3A_95 = arith.constant 0 : i32
    %dma_wait3A_96 = arith.constant 0 : i32
    %dma_wait3A_97 = tpu.memref_slice %arg7[%dma_wait3A_78, %dma_wait3A_79, %dma_wait3A_95, %dma_wait3A_96] : memref<2x2x8x768xf32, #tpu.memory_space<vmem>> -> memref<1x1x8x768xf32, #tpu.memory_space<vmem>>
    %dma_wait3A_98 = tpu.memref_squeeze %dma_wait3A_97 : memref<1x1x8x768xf32, #tpu.memory_space<vmem>> -> memref<8x768xf32, #tpu.memory_space<vmem>>
    tpu.wait_dma2 semaphore(%dma_wait3A_91 : memref<!tpu.dma_semaphore, #tpu.memory_space<semaphore_mem>>) src(%dma_wait3A_98 : memref<8x768xf32, #tpu.memory_space<vmem>>) dst(%dma_wait3A_94 : memref<8x768xf32, #tpu.memory_space<hbm>>)
    %add3A_99 = arith.constant 136 : i32
    %add3A_100 = arith.addi %mul3A_4, %add3A_99 : i32
    %dma_wait3A_101 = arith.constant 1 : i32
    %dma_wait3A_102 = arith.constant 0 : i32
    %dma_wait3A_103 = arith.constant 0 : i32
    %dma_wait3A_104 = arith.constant 1 : i32
    %dma_wait3A_105 = arith.constant 0 : i32
    %dma_wait3A_106 = arith.constant 0 : i32
    %dma_wait3A_107 = arith.constant 0 : i32
    %dma_wait3A_108 = tpu.memref_slice %arg7[%dma_wait3A_101, %dma_wait3A_102, %dma_wait3A_106, %dma_wait3A_107] : memref<2x2x8x768xf32, #tpu.memory_space<vmem>> -> memref<1x1x8x768xf32, #tpu.memory_space<vmem>>
    %dma_wait3A_109 = tpu.memref_squeeze %dma_wait3A_108 : memref<1x1x8x768xf32, #tpu.memory_space<vmem>> -> memref<8x768xf32, #tpu.memory_space<vmem>>
    %dma_wait3A_110 = arith.constant 0 : i32
    %dma_wait3A_111 = tpu.memref_slice %arg5[%dma_wait3A_103, %shift_right_arithmetic3A_1, %add3A_100, %dma_wait3A_110] : memref<2x8x576x768xf32, #tpu.memory_space<hbm>> -> memref<1x1x8x768xf32, #tpu.memory_space<hbm>>
    %dma_wait3A_112 = tpu.memref_squeeze %dma_wait3A_111 : memref<1x1x8x768xf32, #tpu.memory_space<hbm>> -> memref<8x768xf32, #tpu.memory_space<hbm>>
    %dma_wait3A_113 = tpu.memref_slice %arg11[%dma_wait3A_104, %dma_wait3A_105] : memref<2x2x!tpu.dma_semaphore, #tpu.memory_space<semaphore_mem>> -> memref<1x1x!tpu.dma_semaphore, #tpu.memory_space<semaphore_mem>>
    %dma_wait3A_114 = tpu.memref_squeeze %dma_wait3A_113 : memref<1x1x!tpu.dma_semaphore, #tpu.memory_space<semaphore_mem>> -> memref<!tpu.dma_semaphore, #tpu.memory_space<semaphore_mem>>
    %dma_wait3A_115 = arith.constant 0 : i32
    %dma_wait3A_116 = tpu.memref_slice %arg5[%dma_wait3A_103, %shift_right_arithmetic3A_1, %add3A_100, %dma_wait3A_115] : memref<2x8x576x768xf32, #tpu.memory_space<hbm>> -> memref<1x1x8x768xf32, #tpu.memory_space<hbm>>
    %dma_wait3A_117 = tpu.memref_squeeze %dma_wait3A_116 : memref<1x1x8x768xf32, #tpu.memory_space<hbm>> -> memref<8x768xf32, #tpu.memory_space<hbm>>
    %dma_wait3A_118 = arith.constant 0 : i32
    %dma_wait3A_119 = arith.constant 0 : i32
    %dma_wait3A_120 = tpu.memref_slice %arg7[%dma_wait3A_101, %dma_wait3A_102, %dma_wait3A_118, %dma_wait3A_119] : memref<2x2x8x768xf32, #tpu.memory_space<vmem>> -> memref<1x1x8x768xf32, #tpu.memory_space<vmem>>
    %dma_wait3A_121 = tpu.memref_squeeze %dma_wait3A_120 : memref<1x1x8x768xf32, #tpu.memory_space<vmem>> -> memref<8x768xf32, #tpu.memory_space<vmem>>
    tpu.wait_dma2 semaphore(%dma_wait3A_114 : memref<!tpu.dma_semaphore, #tpu.memory_space<semaphore_mem>>) src(%dma_wait3A_121 : memref<8x768xf32, #tpu.memory_space<vmem>>) dst(%dma_wait3A_117 : memref<8x768xf32, #tpu.memory_space<hbm>>)
    %dma_wait3A_122 = arith.constant 1 : i32
    %dma_wait3A_123 = arith.constant 1 : i32
    %dma_wait3A_124 = arith.constant 1 : i32
    %dma_wait3A_125 = arith.constant 1 : i32
    %dma_wait3A_126 = arith.constant 1 : i32
    %dma_wait3A_127 = arith.constant 0 : i32
    %dma_wait3A_128 = arith.constant 0 : i32
    %dma_wait3A_129 = tpu.memref_slice %arg7[%dma_wait3A_122, %dma_wait3A_123, %dma_wait3A_127, %dma_wait3A_128] : memref<2x2x8x768xf32, #tpu.memory_space<vmem>> -> memref<1x1x8x768xf32, #tpu.memory_space<vmem>>
    %dma_wait3A_130 = tpu.memref_squeeze %dma_wait3A_129 : memref<1x1x8x768xf32, #tpu.memory_space<vmem>> -> memref<8x768xf32, #tpu.memory_space<vmem>>
    %dma_wait3A_131 = arith.constant 0 : i32
    %dma_wait3A_132 = tpu.memref_slice %arg5[%dma_wait3A_124, %shift_right_arithmetic3A_1, %add3A_100, %dma_wait3A_131] : memref<2x8x576x768xf32, #tpu.memory_space<hbm>> -> memref<1x1x8x768xf32, #tpu.memory_space<hbm>>
    %dma_wait3A_133 = tpu.memref_squeeze %dma_wait3A_132 : memref<1x1x8x768xf32, #tpu.memory_space<hbm>> -> memref<8x768xf32, #tpu.memory_space<hbm>>
    %dma_wait3A_134 = tpu.memref_slice %arg11[%dma_wait3A_125, %dma_wait3A_126] : memref<2x2x!tpu.dma_semaphore, #tpu.memory_space<semaphore_mem>> -> memref<1x1x!tpu.dma_semaphore, #tpu.memory_space<semaphore_mem>>
    %dma_wait3A_135 = tpu.memref_squeeze %dma_wait3A_134 : memref<1x1x!tpu.dma_semaphore, #tpu.memory_space<semaphore_mem>> -> memref<!tpu.dma_semaphore, #tpu.memory_space<semaphore_mem>>
    %dma_wait3A_136 = arith.constant 0 : i32
    %dma_wait3A_137 = tpu.memref_slice %arg5[%dma_wait3A_124, %shift_right_arithmetic3A_1, %add3A_100, %dma_wait3A_136] : memref<2x8x576x768xf32, #tpu.memory_space<hbm>> -> memref<1x1x8x768xf32, #tpu.memory_space<hbm>>
    %dma_wait3A_138 = tpu.memref_squeeze %dma_wait3A_137 : memref<1x1x8x768xf32, #tpu.memory_space<hbm>> -> memref<8x768xf32, #tpu.memory_space<hbm>>
    %dma_wait3A_139 = arith.constant 0 : i32
    %dma_wait3A_140 = arith.constant 0 : i32
    %dma_wait3A_141 = tpu.memref_slice %arg7[%dma_wait3A_122, %dma_wait3A_123, %dma_wait3A_139, %dma_wait3A_140] : memref<2x2x8x768xf32, #tpu.memory_space<vmem>> -> memref<1x1x8x768xf32, #tpu.memory_space<vmem>>
    %dma_wait3A_142 = tpu.memref_squeeze %dma_wait3A_141 : memref<1x1x8x768xf32, #tpu.memory_space<vmem>> -> memref<8x768xf32, #tpu.memory_space<vmem>>
    tpu.wait_dma2 semaphore(%dma_wait3A_135 : memref<!tpu.dma_semaphore, #tpu.memory_space<semaphore_mem>>) src(%dma_wait3A_142 : memref<8x768xf32, #tpu.memory_space<vmem>>) dst(%dma_wait3A_138 : memref<8x768xf32, #tpu.memory_space<hbm>>)
    return
  }
}

</mosaic_0001>

<sc_bundles>
// kernel: _exchange.3.cloned.1.call-start
scs
__scs_entry_jumppad:
0x0: {  	(pc) =	sbr.rel $0x88, $3  }
0x1: {  	(tag) =	ssettag $0x0;
	lr =	simm.s32 $0x1  }
0x2: {  	[smem:$0x3F9E] =	sst lr;
	_ =	strace $0xD0000000  }
0x3: {  	_ = 	snop  }
0x4: {  	_ = 	snop  }
0x5: {  	_ = 	snop  }
0x6: {  	_ = 	snop  }
0x7: {  	_ = 	snop  }
__scs_overlays_trampoline_lowered:
0x8: {  	[smem:$0x3FAD] =	sst s0  }
0x9: {  	[smem:$0x3FAE] =	sst s1  }
0xa: {  	[smem:$0x3FAF] =	sst s2  }
0xb: {  	[smem:$0x3FB0] =	sst s3  }
0xc: {  	[smem:$0x3FB1] =	sst s4  }
0xd: {  	[smem:$0x3FB2] =	sst s5  }
0xe: {  	[smem:$0x3FB3] =	sst s6  }
0xf: {  	[smem:$0x3FB4] =	sst s7  }
0x10: {  	[smem:$0x3FB5] =	sst s8  }
0x11: {  	[smem:$0x3FB6] =	sst s9;
	s0 =	simm.s32 @!p0 $0x0  }
0x12: {  	s1 =	sld [smem:$0x3F9C];
	s0 =	simm.s32 @p0 $0x1  }
0x13: {  	[smem:$0x3FB7] =	sst s0;
	s0 =	simm.s32 @!p1 $0x0  }
0x14: {  	s2 =	sld [smem:$0x3F9B];
	s0 =	simm.s32 @p1 $0x1  }
0x15: {  	[smem:$0x3FB8] =	sst s0;
	s0 =	simm.s32 @!p2 $0x0  }
0x16: {  	s3 =	sld [smem:$0x3FDB];
	s0 =	simm.s32 @p2 $0x1  }
0x17: {  	s4 =	simm.s32 $0x1BF5;
	[smem:$0x3FBA] =	sst s0  }
0x18: {  	s0 =	sld [smem:$0x3F9D];
	_ =	swait.ge [sflag:s4], $0x0  }
0x19: {  	s7 =	sld [smem:$0x3F9E]  }
0x1a: {  	s8 =	sadd.s32 $0xFFFFE003, lr  }
0x1b: {  	s9 =	sadd.s32 $0xFFFFFEF7, lr;
	s5 =	simm.s32 $0xFFFFFFFF;
	p2 =	slt.u32 s8, $0xFFFFF086  }
0x1c: {  	p1 =	slt.u32 s9, $0xF7A;
	s5 =	simm.s32 @!p2 $0x0  }
0x1d: {  	s5 =	simm.s32 @p1 $0x1;
	p0 =	seq.s32 s7, s2  }
0x1e: {  	s7 =	smul.u32 @!p0 $0xF7A, s2;
	p2 =	seq.s32 @!p0 s5, $0x0  }
0x1f: {  	s9 =	smul.u32 $0xF7A, s1;
	s8 =	simm.s32 @!p0 $0x1BF5;
	p2 =	por !p2, p0  }
0x20: {  	[sflag:s8] =	ssyncset.s32 @!p0 $0xFFFFF086;
	s6 =	sadd.s32 @!p0 s3, s7;
	s7 =	simm.s32 @!p0 $0x108  }
0x21: {  	s3 =	sadd.s32 s3, s9;
	s6 =	sadd.s32 @!p0 $0x88, s6;
	s7 =	simm.s32 @p2 $0x1082  }
0x22: {  	[simem:s7], [sflag:s8] =	dma.local @!p0 [hbm:s6], $0xF7A  }
0x23: {  	s9 =	sor.u32 $0xD0000000, s2;
	s6 =	simm.s32 $0x108;
	_ =	swait.ge @!p0 [sflag:s8], $0x0  }
0x24: {  	s3 =	sadd.s32 $0x88, s3;
	s6 =	simm.s32 @!p1 $0x1082;
	[sflag:s4] =	ssyncset.s32 $0xFFFFF086  }
0x25: {  	[simem:s6], [sflag:s4] =	dma.local [hbm:s3], $0xF7A  }
0x26: {  	[smem:$0x3F9E] =	sst s1;
	(tag) =	ssettag s2;
	_ =	strace s9  }
0x27: {  	s1 =	sld [smem:$0x3FAE]  }
0x28: {  	s2 =	sld [smem:$0x3FAF]  }
0x29: {  	s4 =	sld [smem:$0x3FB1]  }
0x2a: {  	p0 =	seq.s32 s5, $0x0;
	s5 =	sld [smem:$0x3FB2]  }
0x2b: {  	s6 =	sld [smem:$0x3FB3]  }
0x2c: {  	s7 =	sld [smem:$0x3FB4]  }
0x2d: {  	s3 =	simm.s32 $0x108;
	s8 =	sld [smem:$0x3FB5]  }
0x2e: {  	s3 =	simm.s32 @!p0 $0x1082;
	s9 =	sld [smem:$0x3FB6]  }
0x2f: {  	lr =	sadd.s32 s0, s3;
	s0 =	sld [smem:$0x3FAD]  }
0x30: {  	s3 =	sld [smem:$0x3FB0]  }
0x31: {  	[smem:$0x3FB9] =	sst s10  }
0x32: {  	s10 =	sld [smem:$0x3FB7];
	_ =	sdelay $0x3  }
0x33: {  	p0 =	seq.s32 s10, $0x1;
	s10 =	sld [smem:$0x3FB9];
	_ =	sdelay $0x3  }
0x34: {  	[smem:$0x3FB9] =	sst s10  }
0x35: {  	s10 =	sld [smem:$0x3FB8];
	_ =	sdelay $0x3  }
0x36: {  	p1 =	seq.s32 s10, $0x1;
	s10 =	sld [smem:$0x3FB9];
	_ =	sdelay $0x3  }
0x37: {  	[smem:$0x3FB9] =	sst s10  }
0x38: {  	s10 =	sld [smem:$0x3FBA]  }
0x39: {  	_ = 	snop;
	(pc) =	sbr.ind lr, $3  }
0x3a: {  	_ = 	snop  }
0x3b: {  	_ = 	snop  }
0x3c: {  	p2 =	seq.s32 s10, $0x1;
	s10 =	sld [smem:$0x3FB9]  }
0x3d: {  	_ =	shalt  }
0x3e: {  	_ =	shalt  }
0x3f: {  	_ =	shalt  }
0x40: {  	_ =	shalt  }
0x41: {  	_ =	shalt  }
0x42: {  	_ =	shalt  }
0x43: {  	_ =	shalt  }
0x44: {  	_ =	shalt  }
0x45: {  	_ =	shalt  }
0x46: {  	_ =	shalt  }
0x47: {  	_ =	shalt  }
0x48: {  	_ =	shalt  }
0x49: {  	_ =	shalt  }
0x4a: {  	_ =	shalt  }
0x4b: {  	_ =	shalt  }
0x4c: {  	_ =	shalt  }
0x4d: {  	_ =	shalt  }
0x4e: {  	_ =	shalt  }
0x4f: {  	_ =	shalt  }
0x50: {  	_ =	shalt  }
0x51: {  	_ =	shalt  }
0x52: {  	_ =	shalt  }
0x53: {  	_ =	shalt  }
0x54: {  	_ =	shalt  }
0x55: {  	_ =	shalt  }
0x56: {  	_ =	shalt  }
0x57: {  	_ =	shalt  }
0x58: {  	_ =	shalt  }
0x59: {  	_ =	shalt  }
0x5a: {  	_ =	shalt  }
0x5b: {  	_ =	shalt  }
0x5c: {  	_ =	shalt  }
0x5d: {  	_ =	shalt  }
0x5e: {  	_ =	shalt  }
0x5f: {  	_ =	shalt  }
0x60: {  	_ =	shalt  }
0x61: {  	_ =	shalt  }
0x62: {  	_ =	shalt  }
0x63: {  	_ =	shalt  }
0x64: {  	_ =	shalt  }
0x65: {  	_ =	shalt  }
0x66: {  	_ =	shalt  }
0x67: {  	_ =	shalt  }
0x68: {  	_ =	shalt  }
0x69: {  	_ =	shalt  }
0x6a: {  	_ =	shalt  }
0x6b: {  	_ =	shalt  }
0x6c: {  	_ =	shalt  }
0x6d: {  	_ =	shalt  }
0x6e: {  	_ =	shalt  }
0x6f: {  	_ =	shalt  }
0x70: {  	_ =	shalt  }
0x71: {  	_ =	shalt  }
0x72: {  	_ =	shalt  }
0x73: {  	_ =	shalt  }
0x74: {  	_ =	shalt  }
0x75: {  	_ =	shalt  }
0x76: {  	_ =	shalt  }
0x77: {  	_ =	shalt  }
0x78: {  	_ =	shalt  }
0x79: {  	_ =	shalt  }
0x7a: {  	_ =	shalt  }
0x7b: {  	_ =	shalt  }
0x7c: {  	_ =	shalt  }
0x7d: {  	_ =	shalt  }
0x7e: {  	_ =	shalt  }
0x7f: {  	_ =	shalt  }
0x80: {  	_ =	shalt  }
0x81: {  	_ =	shalt  }
0x82: {  	_ =	shalt  }
0x83: {  	_ =	shalt  }
0x84: {  	_ =	shalt  }
0x85: {  	_ =	shalt  }
0x86: {  	_ =	shalt  }
0x87: {  	_ =	shalt  }
.Lfunc_end0:
.L_simem_size_0:
called_computation_lowered:
.L_overlay_start_0:
0x88: {  	s2 =	sld [smem:$0x3FD9]  }
0x89: {  	s3 =	sld [smem:$0x3FFE];
	_ =	sdelay $0x1  }
0x8a: {  	s1 =	srdreg.scid  }
0x8b: {  	s0 =	sand.u32 $0x1, s1  }
0x8c: {  	s18 =	sshll.u32 s0, $0xA;
	s2 =	sadd.s32 s3, s2  }
0x8d: {  	s2 =	sadd.s32 s2, s18  }
0x8e: {  	[smem:$0x3FC5] =	sst s2  }
0x8f: {  	_ = 	snop  }
0x90: {  	s2 =	sld [smem:$0x3FC9]  }
0x91: {  	s19 =	sld [smem:$0x3FC8]  }
0x92: {  	s4 =	sld [smem:$0x3FC7]  }
0x93: {  	s5 =	sld [smem:$0x3FD0];
	(tm) =	ssettm $0x1  }
0x94: {  	s6 =	sld [smem:$0x3FFB];
	_ =	sdelay $0x3  }
0x95: {  	_ =	strace s6  }
0x96: {  	s6 =	sld [smem:$0x3FFC];
	_ =	sdelay $0x3  }
0x97: {  	_ =	strace s6  }
0x98: {  	s6 =	sld [smem:$0x3FFD];
	_ =	sdelay $0x3  }
0x99: {  	_ =	strace s6  }
0x9a: {  	_ =	strace $0x8FFFFFFF  }
0x9b: {  	s20 =	sld [smem:$0x3FDB];
	_ =	sdelay $0x1  }
0x9c: {  	s7 =	simm.s32 $_scs_section_size  }
0x9d: {  	s8 =	simm.s32 $_size__tile_overlayer_lowered;
	s9 =	simm.s32 $_tile_overlayer_lowered  }
0x9e: {  	s23 =	simm.s32 $0x1BFF;
	s22 =	sshll.u32 s9, $0x1;
	s6 =	sadd.s32 s7, s20  }
0x9f: {  	s10 =	simm.s32 $0x0;
	s21 =	sshll.u32 s8, $0x1;
	s8 =	sadd.s32 s22, s6  }
0xa0: {  	[timem:s10], [sflag:s23] =	dma.local [hbm:s8], s21  }
0xa1: {  	_ =	swait.ge [sflag:s23], s21  }
0xa2: {  	s7 =	ssub.s32 $0x0, s21;
	[sflag:s23] =	ssyncset.done $0x0  }
0xa3: {  	[sflag:s23] =	ssyncadd.s32 s7;
	_ =	sdelay $0x1  }
0xa4: {  	s24 =	simm.s32 $0x1B8B  }
0xa5: {  	_ =	swait.ge [sflag:s24], $0x1  }
0xa6: {  	[sflag:s24] =	ssyncset.done $0x0  }
0xa7: {  	s25 =	simm.s32 $0x1B8E;
	[sflag:s24] =	ssyncadd.s32 $0xFFFFFFFF  }
0xa8: {  	s26 =	simm.s32 $execute0_lowered;
	[smem:$0x3FD2] =	sst s25  }
0xa9: {  	s7 =	sshll.u32 s26, $0x1;
	_ =	strace $0x80000046;
	[dreg:$0x1] =	wrdreg $0xFFFFFFFF  }
0xaa: {  	s28 =	simm.s32 $_size_execute0_lowered;
	s6 =	sadd.s32 s6, s7;
	[dreg:$0x0] =	wrdreg $0x0  }
0xab: {  	s7 =	sshll.u32 s28, $0x1;
	[dreg:$0x2] =	wrdreg s6  }
0xac: {  	[dreg:$0x3] =	wrdreg s7  }
0xad: {  	[dreg:$0x4] =	wrdreg $0xC0  }
0xae: {  	_ =	task [dreg:s10], $0x5FFFF  }
0xaf: {  	[dreg:$0x1] =	wrdreg $0xFFFFFFFF  }
0xb0: {  	[dreg:$0x0] =	wrdreg $0x60  }
0xb1: {  	[dreg:$0x2] =	wrdreg s2  }
0xb2: {  	[dreg:$0x3] =	wrdreg s19  }
0xb3: {  	[dreg:$0x4] =	wrdreg s4  }
0xb4: {  	[dreg:$0x5] =	wrdreg s5  }
0xb5: {  	[dreg:$0x6] =	wrdreg $0x9  }
0xb6: {  	_ =	task.clear_ibuf [dreg:s10], $0x7FFFF;
	_ =	strace $0x90000046  }
0xb7: {  	s29 =	simm.s32 $0x9;
	_ =	strace $0x80000048  }
0xb8: {  	_ =	swait.ge [sflag:s29], $0x1  }
0xb9: {  	[sflag:s29] =	ssyncadd.s32 $0xFFFFFFFF  }
0xba: {  	_ =	strace $0x90000048  }
0xbb: {  	_ =	sfence  }
0xbc: {  	s30 =	sld [smem:$0x0];
	_ =	sdelay $0x2  }
0xbd: {  	s31 =	sshll.u32 s1, $0xD;
	s1 =	sshrl.u32 s1, $0x2  }
0xbe: {  	s3 =	sand.u32 $0x4000, s31;
	s1 =	sadd.s32 s1, s30  }
0xbf: {  	s0 =	sor.u32 s3, s0;
	s1 =	sshll.u32 s1, $0x11  }
0xc0: {  	s0 =	sor.u32 s1, s0  }
0xc1: {  	s0 =	sadd.s32 $0x8F2B, s0  }
0xc2: {  	[sflag:s0] =	ssyncadd.remote.s32 $0x1  }
0xc3: {  	_ =	sfence.sel $0xFFFF  }
0xc4: {  	[dreg:$0x0] =	wrdreg $0xFFFFFFFF;
	(pc) =	sbr.abs _section_cstart, $3  }
0xc5: {  	[dreg:$0x1] =	wrdreg $0xFFFFFFFF  }
0xc6: {  	_ =	task.clear_ibuf [dreg:s10], $0x2FFFF;
	_ =	strace $0x9FFFFFFF  }
0xc7: {  	(tm) =	ssettm $0x7FFFFFFF  }
tec
execute0_lowered:
.L_overlay_start_1:
0x0: {  	(tag) =	ssettag $0x1  }
0x1: {  	s1 =	rddreg [dreg:$0x0];
	s5 =	stileid.u32  }
0x2: {  	s0 =	rddreg [dreg:$0x3];
	s2 =	srdreg.scid  }
0x3: {  	s14 =	simm.s32 $0x9;
	s28 =	simm.s32 $0x5;
	s3 =	sand.u32 $0x1, s5  }
0x4: {  	s2 =	sand.u32 $0x1, s2;
	s4 =	sshll.u32 s5, $0x1;
	s3 =	smul.u32 $0x120, s3  }
0x5: {  	s5 =	sshrl.u32 s5, $0x1;
	s4 =	sand.u32 $0x2, s4;
	s6 =	smul.u32 $0x90, s2  }
0x6: {  	s29 =	simm.s32 $0x6;
	s7 =	smul.u32 $0x6C000, s5;
	s4 =	sor.u32 s2, s4  }
0x7: {  	s30 =	simm.s32 $0x7;
	s5 =	simm.s32 $0x0;
	s4 =	smul.u32 $0x1B000, s4  }
0x8: {  	s31 =	simm.s32 $0x8;
	[smem:$0x7FF] =	sst s5;
	s3 =	sadd.s32 s6, s3  }
0x9: {  	s2 =	ssub.s32 $0x2, s2;
	s3 =	sshrl.u32 s3, $0x3;
	s4 =	sadd.s32 s7, s4  }
0xa: {  	s17 =	sshrl.u32 s2, $0x1;
	s3 =	smul.u32 $0x1800, s3;
	s4 =	sshrl.u32 s4, $0x3  }
0xb: {  	_ =	strace $0x80000047;
	s2 =	ssub.s32 s2, s17;
	s6 =	sadd.s32 s1, s4  }
0xc: {  	s17 =	simm.s32 $0x3000;
	s18 =	sadd.s32 s3, s7;
	s19 =	sadd.s32 $0x6C000, s6  }
0xd: {  	s20 =	sshrl.u32 s18, $0x3;
	s8 =	sadd.s32 $0x360000, s18;
	s9 =	sadd.s32 $0x363000, s18  }
0xe: {  	s24 =	sadd.s32 $0x361800, s18;
	s4 =	sadd.s32 $0x1800, s18;
	[dreg:$0x9] =	wrdreg s19  }
0xf: {  	s3 =	sadd.s32 s20, s0;
	s8 =	sshrl.u32 s8, $0x3;
	s22 =	sshrl.u32 s9, $0x3  }
0x10: {  	s25 =	sshrl.u32 s24, $0x3;
	s26 =	sshrl.u32 s4, $0x3;
	s19 =	simm.s32 $0x1  }
0x11: {  	s20 =	simm.s32 $0x2;
	s24 =	simm.s32 $0x4;
	s4 =	simm.s32 $0x0  }
0x12: {  	[dreg:$0x5] =	wrdreg s3;
	s21 =	sadd.s32 s8, s0;
	s23 =	sadd.s32 s22, s1  }
0x13: {  	s8 =	smax.u32 s2, $0x1;
	s3 =	sadd.s32 $0x3000, s18;
	s9 =	sadd.s32 s25, s1  }
0x14: {  	s10 =	sadd.s32 s25, s0;
	s11 =	sadd.s32 s26, s0;
	s12 =	sadd.s32 s26, s1  }
0x15: {  	s18 =	simm.s32 $0x4800;
	s22 =	simm.s32 $0x7800;
	[dreg:$0x6] =	wrdreg s21  }
0x16: {  	s25 =	simm.s32 $0x9000;
	s26 =	simm.s32 $0xA800;
	[dreg:$0x7] =	wrdreg s23  }
0x17: {  	[dreg:$0x8] =	wrdreg s9;
	s21 =	simm.s32 $0x6000;
	s23 =	simm.s32 $0x3  }
.LBB2_1:
0x18: {  	s0 =	rddreg [dreg:$0x1];
	s2 =	simm.s32 $0xC000  }
0x19: {  	[tilespmem:s2], [sflag:$0x9] =	stream.linear.gather [hbm4b:s0+s5], $0x600, $0x38;
	[tilespmem:$0xC680] =	vst v63  }
0x1a: {  	_ =	swait.ge [sflag:s14], $0x600  }
0x1b: {  	[sflag:s14] =	ssyncset.done $0x0  }
0x1c: {  	[sflag:s14] =	ssyncadd.s32 $0xFFFFFA00  }
0x1d: {  	s13 =	simm.s32 $0xC600;
	s9 =	rddreg [dreg:$0x2]  }
0x1e: {  	[tilespmem:s13], [sflag:$0x9] =	stream.linear.gather [hbm4b:s9+s5], $0x80, $0x38;
	[tilespmem:$0xC680] =	vst v63  }
0x1f: {  	_ =	swait.ge [sflag:s14], $0x80  }
0x20: {  	[sflag:s14] =	ssyncset.done $0x0  }
0x21: {  	[sflag:s14] =	ssyncadd.s32 $0xFFFFFF80  }
0x22: {  	v0 =	vld [tilespmem:$0xC600];
	[tilespmem:s5], [sflag:$0x1] =	stream.linear.gather [hbm4b:s6+s5], $0x1800, $0x38  }
0x23: {  	s16 =	simm.s32 $0x1800;
	s15 =	rddreg [dreg:$0x9]  }
0x24: {  	[tilespmem:s16], [sflag:$0x2] =	stream.linear.gather [hbm4b:s15+s5], $0x1800, $0x38;
	[tilespmem:$0xC680] =	vst v63  }
0x25: {  	s9 =	sadd.s32 $0x0, s12;
	s7 =	rddreg [dreg:$0x8]  }
0x26: {  	[tilespmem:s17], [sflag:$0x3] =	stream.linear.gather [hbm4b:s9+s5], $0x1800, $0x38;
	[tilespmem:$0xC680] =	vst v63  }
0x27: {  	s0 =	sadd.s32 $0x0, s7  }
0x28: {  	[tilespmem:s18], [sflag:$0x4] =	stream.linear.gather [hbm4b:s0+s5], $0x1800, $0x38;
	[tilespmem:$0xC680] =	vst v63  }
0x29: {  	_ =	swait.ge [sflag:s19], $0x1800  }
0x2a: {  	[sflag:s19] =	ssyncset.done $0x0  }
0x2b: {  	[sflag:s19] =	ssyncadd.s32 $0xFFFFE800  }
0x2c: {  	_ =	swait.ge [sflag:s20], $0x1800  }
0x2d: {  	p0 =	por $0x1, $0x1;
	[sflag:s20] =	ssyncset.done $0x0  }
0x2e: {  	s0 =	simm.s32 @!p0 $0x5;
	[sflag:s20] =	ssyncadd.s32 $0xFFFFE800  }
0x2f: {  	_ =	swait.ge @!p0 [sflag:s0], $0x1800  }
0x30: {  	[sflag:s0] =	ssyncset.done @!p0 $0x0  }
0x31: {  	s2 =	simm.s32 @!p0 $0x6;
	[sflag:s0] =	ssyncadd.s32 @!p0 $0xFFFFE800  }
0x32: {  	_ =	swait.ge @!p0 [sflag:s2], $0x1800  }
0x33: {  	[sflag:s2] =	ssyncset.done @!p0 $0x0  }
0x34: {  	[sflag:s2] =	ssyncadd.s32 @!p0 $0xFFFFE800  }
0x35: {  	v1 =	vld [tilespmem:$0x1800]  }
0x36: {  	v2 =	vld [tilespmem:$0xC000]  }
0x37: {  	v3 =	vld [tilespmem:$0xC080]  }
0x38: {  	v4 =	vld [tilespmem:$0x0];
	_ =	sdelay $0x2  }
0x39: {  	v2 =	vand.u32 $0x7FFFFFFF, v2  }
0x3a: {  	vm0 =	vlt.f32 v2, v0;
	v2 =	vand.u32 $0x7FFFFFFF, v3  }
0x3b: {  	vm1 =	vlt.f32 v2, v0;
	v2 =	vsel vm0, v1, v4  }
0x3c: {  	s13 =	rddreg [dreg:$0x5];
	[tilespmem:$0x6000] =	vst v2;
	v1 =	vsel vm1, v4, v1  }
0x3d: {  	p1 =	por $0x0, $0x0;
	s15 =	rddreg [dreg:$0x6];
	s0 =	sadd.s32 $0x0, s13;
	[tilespmem:$0x7800] =	vst v1  }
0x3e: {  	[hbm4b:s0+s5] =	stream.linear.scatter [tilespmem:s21], [sflag:$0x5], $0x1800, $0x38;
	[tilespmem:$0xC680] =	vst v63  }
0x3f: {  	s9 =	sshrl.u32 @!p1 s3, $0x3;
	s16 =	sadd.s32 $0x0, s15  }
0x40: {  	[hbm4b:s16+s5] =	stream.linear.scatter [tilespmem:s22], [sflag:$0x6], $0x1800, $0x38;
	[tilespmem:$0xC680] =	vst v63  }
0x41: {  	s2 =	rddreg [dreg:$0x7];
	s0 =	sadd.s32 @!p1 s1, s9;
	s9 =	simm.s32 @!p1 $0x0  }
0x42: {  	[tilespmem:s9], [sflag:$0x1] =	stream.linear.gather @!p1 [hbm4b:s0+s9], $0x1800, $0x38;
	[tilespmem:$0xC680] =	vst v63  }
0x43: {  	s0 =	sadd.s32 @!p1 $0x0, s2;
	s2 =	simm.s32 @!p1 $0x1800  }
0x44: {  	[tilespmem:s2], [sflag:$0x2] =	stream.linear.gather @!p1 [hbm4b:s0+s9], $0x1800, $0x38;
	[tilespmem:$0xC680] =	vst v63  }
0x45: {  	_ =	swait.ge [sflag:s23], $0x1800  }
0x46: {  	[sflag:s23] =	ssyncset.done $0x0  }
0x47: {  	[sflag:s23] =	ssyncadd.s32 $0xFFFFE800  }
0x48: {  	_ =	swait.ge [sflag:s24], $0x1800  }
0x49: {  	[sflag:s24] =	ssyncset.done $0x0  }
0x4a: {  	s0 =	simm.s32 @!p0 $0x7;
	[sflag:s24] =	ssyncadd.s32 $0xFFFFE800  }
0x4b: {  	_ =	swait.ge @!p0 [sflag:s0], $0x1800  }
0x4c: {  	[sflag:s0] =	ssyncset.done @!p0 $0x0  }
0x4d: {  	[sflag:s0] =	ssyncadd.s32 @!p0 $0xFFFFE800;
	s0 =	simm.s32 @!p0 $0x8  }
0x4e: {  	_ =	swait.ge @!p0 [sflag:s0], $0x1800  }
0x4f: {  	[sflag:s0] =	ssyncset.done @!p0 $0x0  }
0x50: {  	[sflag:s0] =	ssyncadd.s32 @!p0 $0xFFFFE800  }
0x51: {  	v3 =	vld [tilespmem:$0xC000]  }
0x52: {  	v4 =	vld [tilespmem:$0xC080]  }
0x53: {  	v1 =	vld [tilespmem:$0x4800]  }
0x54: {  	s2 =	simm.s32 $0x600;
	s9 =	smov.u32 s3;
	s0 =	simm.s32 $0x0;
	v2 =	vld [tilespmem:$0x3000]  }
.LBB2_2:
0x55: {  	_ =	sdelay $0x1  }
0x56: {  	v3 =	vand.u32 $0x7FFFFFFF, v3;
	v4 =	vand.u32 $0x7FFFFFFF, v4  }
0x57: {  	vm0 =	vlt.f32 v3, v0;
	vm1 =	vlt.f32 v4, v0  }
0x58: {  	v3 =	vsel vm0, v1, v2;
	v1 =	vsel vm1, v2, v1  }
0x59: {  	[tilespmem:$0xA800] =	vst v1  }
0x5a: {  	s13 =	smov.u32 s2;
	s15 =	sadd.s32 s0, s11;
	[tilespmem:$0x9000] =	vst v3  }
0x5b: {  	[hbm4b:s15+s5] =	stream.linear.scatter [tilespmem:s25], [sflag:$0x7], $0x1800, $0x38;
	[tilespmem:$0xC680] =	vst v63  }
0x5c: {  	s16 =	sadd.s32 s0, s10;
	s0 =	smov.u32 s13  }
0x5d: {  	[hbm4b:s16+s5] =	stream.linear.scatter [tilespmem:s26], [sflag:$0x8], $0x1800, $0x38;
	[tilespmem:$0xC680] =	vst v63  }
0x5e: {  	s13 =	rddreg [dreg:$0x8];
	s7 =	sadd.s32 s0, s12  }
0x5f: {  	[tilespmem:s17], [sflag:$0x3] =	stream.linear.gather [hbm4b:s7+s5], $0x1800, $0x38;
	[tilespmem:$0xC680] =	vst v63  }
0x60: {  	s13 =	sadd.s32 s0, s13  }
0x61: {  	[tilespmem:s18], [sflag:$0x4] =	stream.linear.gather [hbm4b:s13+s5], $0x1800, $0x38;
	[tilespmem:$0xC680] =	vst v63  }
0x62: {  	_ =	swait.ge [sflag:s19], $0x1800  }
0x63: {  	[sflag:s19] =	ssyncset.done $0x0  }
0x64: {  	[sflag:s19] =	ssyncadd.s32 $0xFFFFE800  }
0x65: {  	_ =	swait.ge [sflag:s20], $0x1800  }
0x66: {  	p1 =	seq.s32 s0, $0x0;
	[sflag:s20] =	ssyncset.done $0x0  }
0x67: {  	s13 =	simm.s32 @!p1 $0x5;
	[sflag:s20] =	ssyncadd.s32 $0xFFFFE800  }
0x68: {  	_ =	swait.ge @!p1 [sflag:s13], $0x1800  }
0x69: {  	[sflag:s13] =	ssyncset.done @!p1 $0x0  }
0x6a: {  	s15 =	simm.s32 @!p1 $0x6;
	[sflag:s13] =	ssyncadd.s32 @!p1 $0xFFFFE800  }
0x6b: {  	_ =	swait.ge @!p1 [sflag:s15], $0x1800  }
0x6c: {  	[sflag:s15] =	ssyncset.done @!p1 $0x0  }
0x6d: {  	[sflag:s15] =	ssyncadd.s32 @!p1 $0xFFFFE800  }
0x6e: {  	v1 =	vld [tilespmem:$0x1800]  }
0x6f: {  	v2 =	vld [tilespmem:$0xC000]  }
0x70: {  	v3 =	vld [tilespmem:$0xC080]  }
0x71: {  	v4 =	vld [tilespmem:$0x0];
	_ =	sdelay $0x2  }
0x72: {  	v2 =	vand.u32 $0x7FFFFFFF, v2  }
0x73: {  	vm14 =	vlt.f32 v2, v0;
	v2 =	vand.u32 $0x7FFFFFFF, v3  }
0x74: {  	vm15 =	vlt.f32 v2, v0;
	v2 =	vsel vm14, v1, v4  }
0x75: {  	s9 =	sadd.s32 $0x3000, s9;
	s15 =	rddreg [dreg:$0x5];
	[tilespmem:$0x6000] =	vst v2;
	v1 =	vsel vm15, v4, v1  }
0x76: {  	p2 =	seq.s32 s0, $0x3000;
	s16 =	rddreg [dreg:$0x6];
	s13 =	sadd.s32 s0, s15;
	[tilespmem:$0x7800] =	vst v1  }
0x77: {  	[hbm4b:s13+s5] =	stream.linear.scatter [tilespmem:s21], [sflag:$0x5], $0x1800, $0x38;
	[tilespmem:$0xC680] =	vst v63  }
0x78: {  	s7 =	sshrl.u32 @!p2 s9, $0x3;
	s15 =	sadd.s32 s0, s16  }
0x79: {  	[hbm4b:s15+s5] =	stream.linear.scatter [tilespmem:s22], [sflag:$0x6], $0x1800, $0x38;
	[tilespmem:$0xC680] =	vst v63  }
0x7a: {  	s7 =	sadd.s32 @!p2 s1, s7;
	s16 =	rddreg [dreg:$0x7];
	s15 =	simm.s32 @!p2 $0x0  }
0x7b: {  	[tilespmem:s15], [sflag:$0x1] =	stream.linear.gather @!p2 [hbm4b:s7+s15], $0x1800, $0x38;
	[tilespmem:$0xC680] =	vst v63  }
0x7c: {  	s13 =	sadd.s32 @!p2 s0, s16;
	s7 =	simm.s32 @!p2 $0x1800  }
0x7d: {  	[tilespmem:s7], [sflag:$0x2] =	stream.linear.gather @!p2 [hbm4b:s13+s15], $0x1800, $0x38;
	[tilespmem:$0xC680] =	vst v63  }
0x7e: {  	_ =	swait.ge [sflag:s23], $0x1800  }
0x7f: {  	[sflag:s23] =	ssyncset.done $0x0  }
0x80: {  	[sflag:s23] =	ssyncadd.s32 $0xFFFFE800  }
0x81: {  	_ =	swait.ge [sflag:s24], $0x1800  }
0x82: {  	[sflag:s24] =	ssyncset.done $0x0  }
0x83: {  	s7 =	simm.s32 @!p1 $0x7;
	[sflag:s24] =	ssyncadd.s32 $0xFFFFE800  }
0x84: {  	_ =	swait.ge @!p1 [sflag:s7], $0x1800  }
0x85: {  	[sflag:s7] =	ssyncset.done @!p1 $0x0  }
0x86: {  	[sflag:s7] =	ssyncadd.s32 @!p1 $0xFFFFE800;
	s7 =	simm.s32 @!p1 $0x8  }
0x87: {  	s2 =	sadd.s32 $0x600, s2;
	_ =	swait.ge @!p1 [sflag:s7], $0x1800  }
0x88: {  	p0 =	sne.s32 s2, $0x3600;
	[sflag:s7] =	ssyncset.done @!p1 $0x0  }
.Ltmp0:
0x89: {  	[sflag:s7] =	ssyncadd.s32 @!p1 $0xFFFFE800;
	(pc) =	sbr.rel @p0 .LBB2_2-.Ltmp0, $4  }
0x8a: {  	v3 =	vld [tilespmem:$0xC000]  }
0x8b: {  	v4 =	vld [tilespmem:$0xC080]  }
0x8c: {  	v1 =	vld [tilespmem:$0x4800]  }
0x8d: {  	v2 =	vld [tilespmem:$0x3000]  }
0x8e: {  	_ =	sdelay $0x1  }
0x8f: {  	v4 =	vand.u32 $0x7FFFFFFF, v4  }
0x90: {  	v3 =	vand.u32 $0x7FFFFFFF, v3;
	vm0 =	vlt.f32 v4, v0  }
0x91: {  	vm1 =	vlt.f32 v3, v0;
	v62 =	vsel vm0, v2, v1  }
0x92: {  	v63 =	vsel vm1, v1, v2;
	[tilespmem:$0xA800] =	vst v62  }
0x93: {  	s2 =	sadd.s32 s0, s11;
	[tilespmem:$0x9000] =	vst v63  }
0x94: {  	[hbm4b:s2+s5] =	stream.linear.scatter [tilespmem:s25], [sflag:$0x7], $0x1800, $0x38;
	[tilespmem:$0xC680] =	vst v63  }
0x95: {  	s16 =	sadd.s32 s0, s10  }
0x96: {  	[hbm4b:s16+s5] =	stream.linear.scatter [tilespmem:s26], [sflag:$0x8], $0x1800, $0x38;
	[tilespmem:$0xC680] =	vst v63  }
0x97: {  	_ =	swait.ge [sflag:s28], $0x1800  }
0x98: {  	[sflag:s28] =	ssyncset.done $0x0  }
0x99: {  	[sflag:s28] =	ssyncadd.s32 $0xFFFFE800  }
0x9a: {  	_ =	swait.ge [sflag:s29], $0x1800  }
0x9b: {  	[sflag:s29] =	ssyncset.done $0x0  }
0x9c: {  	s4 =	sadd.s32 $0x1, s4;
	[sflag:s29] =	ssyncadd.s32 $0xFFFFE800  }
0x9d: {  	p0 =	sne.s32 s4, s8;
	_ =	swait.ge [sflag:s30], $0x1800  }
.Ltmp1:
0x9e: {  	[sflag:s30] =	ssyncset.done $0x0;
	(pc) =	sbr.rel @p0 .LBB2_1-.Ltmp1, $4  }
0x9f: {  	[sflag:s30] =	ssyncadd.s32 $0xFFFFE800  }
0xa0: {  	_ =	swait.ge [sflag:s31], $0x1800  }
0xa1: {  	[sflag:s31] =	ssyncset.done $0x0  }
0xa2: {  	[sflag:s31] =	ssyncadd.s32 $0xFFFFE800  }
0xa3: {  	_ =	sfence.sel $0x180000  }
0xa4: {  	[bflag:$0x0] =	sbarrier.arrive $0xFFFF  }
0xa5: {  	_ =	strace $0x90000047  }
0xa6: {  	s0 =	stileid.u32;
	[bflag:$0x2] =	sbarrier.arrive $0xFFFF  }
0xa7: {  	p0 =	sne.s32 s0, $0x0;
	s0 =	rddreg [dreg:$0x4]  }
0xa8: {  	s0 =	sadd.s32 @!p0 $0x100000, s0  }
0xa9: {  	[sflag:s0] =	ssyncadd.tile.s32 @!p0 $0x1;
	_ =	shalt  }
.Lfunc_end2:
_tile_overlayer_lowered:
.L_overlay_start_2:
0xaa: {  	(tag) =	ssettag $0x2  }
0xab: {  	s0 =	rddreg [dreg:$0x0];
	s2 =	stileid.u32  }
0xac: {  	s1 =	rddreg [dreg:$0x1];
	p0 =	sne.s32 s2, $0x0  }
0xad: {  	s3 =	rddreg [dreg:$0x2];
	[bflag:$0x3] =	sbarrier.arrive $0xFFFF;
	s2 =	simm.s32 @!p0 $0x1C09  }
0xae: {  	[timem:s3], [sflag:s2] =	dma.local @!p0 [hbm:s0], s1  }
0xaf: {  	s0 =	simm.s32 @!p0 $0x9  }
0xb0: {  	_ =	swait.ge @!p0 [sflag:s0], s1  }
0xb1: {  	s1 =	ssub.s32 @!p0 $0x0, s1;
	[sflag:s0] =	ssyncset.done @!p0 $0x0  }
0xb2: {  	[sflag:s0] =	ssyncadd.s32 @!p0 s1  }
0xb3: {  	[bflag:$0x3] =	sbarrier.arrive $0xFFFF  }
0xb4: {  	_ =	shalt  }

</sc_bundles>
